<compile_context>
chip_gen: v7x
topology: tpu7x:2x2x1
jax: 0.10.2.dev20260603
libtpu: 0.0.44.dev20260713+nightly
codegen_flags: <defaults>
</compile_context>

<pallas_src>
import functools

import jax
import jax.numpy as jnp
from jax import lax
from jax.experimental import pallas as pl
from jax.experimental.pallas import tpu as pltpu
from jax.experimental.pallas import tpu_sc as plsc

B, N, D, NK = 4, 4096, 64, 32
OC = 32
TW = 48
R = B * N
M = B * N * NK
NC, NS, L = 2, 16, 16
NW = NC * NS
ROWS_PER_W = R // NW
GROUP = 4
FMAX = 3.4e38


def _k1_body(xf_ref, fl_ref, wa_ref, wc_ref, b1_ref, t_ref, c_ref):
    xf = xf_ref[0]
    a = lax.dot_general(xf, wa_ref[...], (((0,), (0,)), ((), ())),
                        preferred_element_type=jnp.float32)
    c = lax.dot_general(xf, wc_ref[...], (((0,), (0,)), ((), ())),
                        preferred_element_type=jnp.float32) + b1_ref[...]
    t_ref[0, :, 0:OC] = a
    t_ref[0, :, OC:OC + 3] = fl_ref[0].T
    t_ref[0, :, OC + 3:TW] = jnp.zeros((a.shape[0], TW - OC - 3), jnp.float32)
    c_ref[0] = c


def _k1(xf, flow, wa, wc, b1):
    TN = 1024
    grid = (B, N // TN)
    return pl.pallas_call(
        _k1_body,
        grid=grid,
        in_specs=[
            pl.BlockSpec((1, 3 + D, TN), lambda b, i: (b, 0, i)),
            pl.BlockSpec((1, 3, TN), lambda b, i: (b, 0, i)),
            pl.BlockSpec((3 + D, OC), lambda b, i: (0, 0)),
            pl.BlockSpec((3 + D, OC), lambda b, i: (0, 0)),
            pl.BlockSpec((1, OC), lambda b, i: (0, 0)),
        ],
        out_specs=[
            pl.BlockSpec((1, TN, TW), lambda b, i: (b, i, 0)),
            pl.BlockSpec((1, TN, OC), lambda b, i: (b, i, 0)),
        ],
        out_shape=[
            jax.ShapeDtypeStruct((B, N, TW), jnp.float32),
            jax.ShapeDtypeStruct((B, N, OC), jnp.float32),
        ],
    )(xf, flow, wa, wc, b1[None])


def _k1_wrap(pc1, feat1, flow, W1, b1):
    w1x = W1[:, 0:3]
    w1f = W1[:, 3:3 + D]
    w1g = W1[:, 3 + D:]
    wa = jnp.concatenate([w1x, w1f], axis=1).T
    wc = jnp.concatenate([-w1x, w1g], axis=1).T
    xf = jnp.concatenate([pc1, feat1], axis=1)
    t, c = _k1(xf, flow, wa, wc, b1)
    return t.reshape(R, TW), c.reshape(R, OC)


def _bf16_round(x):
    u = plsc.bitcast(x, jnp.uint32)
    r = u + jnp.uint32(0x7FFF) + ((u >> jnp.uint32(16)) & jnp.uint32(1))
    return plsc.bitcast(r & jnp.uint32(0xFFFF0000), jnp.float32)


def _k2_body(pc1_hbm, t_hbm, out_hbm, px, py, pz,
             pxb, pyb, pzb, s2, idxbuf, rowbuf, sem):
    wid = lax.axis_index("s") * NC + lax.axis_index("c")
    wpb = NW // B
    b = wid // wpb
    pltpu.sync_copy(pc1_hbm.at[pl.ds(b * 3 * N, N)], px)
    pltpu.sync_copy(pc1_hbm.at[pl.ds(b * 3 * N + N, N)], py)
    pltpu.sync_copy(pc1_hbm.at[pl.ds(b * 3 * N + 2 * N, N)], pz)
    row0 = wid * ROWS_PER_W
    n0 = (wid % wpb) * ROWS_PER_W
    gbase = b * N

    def pre_body(ci, _):
        base = ci * L
        cx = px[pl.ds(base, L)]
        cy = py[pl.ds(base, L)]
        cz = pz[pl.ds(base, L)]
        pxb[pl.ds(base, L)] = _bf16_round(cx)
        pyb[pl.ds(base, L)] = _bf16_round(cy)
        pzb[pl.ds(base, L)] = _bf16_round(cz)
        s2[pl.ds(base, L)] = cx * cx + cy * cy + cz * cz
        return 0

    lax.fori_loop(0, N // L, pre_body, 0, unroll=False)

    def topk_row(n):
        nsplat = jnp.zeros((L,), jnp.int32) + n
        pxn = plsc.load_gather(pxb, [nsplat])
        pyn = plsc.load_gather(pyb, [nsplat])
        pzn = plsc.load_gather(pzb, [nsplat])
        sn2 = plsc.load_gather(s2, [nsplat])

        def chunk_body(ci, carry):
            base = ci * L
            cx = pxb[pl.ds(base, L)]
            cy = pyb[pl.ds(base, L)]
            cz = pzb[pl.ds(base, L)]
            dot = cx * pxn + cy * pyn + cz * pzn
            d = (jnp.float32(-2.0) * dot + sn2) + s2[pl.ds(base, L)]
            r0v, r0i, r1v, r1i = carry

            def merge(c):
                r0v, r0i, r1v, r1i = c
                rcv, rci = plsc.sort_key_val(
                    d, lax.iota(jnp.int32, L) + base, descending=True)
                m = r1v <= rcv
                lv = jnp.where(m, r1v, rcv)
                li = jnp.where(m, r1i, rci)
                rlv, rli = plsc.sort_key_val(lv, li, descending=True)
                m2 = r0v <= rlv
                av = jnp.where(m2, r0v, rlv)
                ai = jnp.where(m2, r0i, rli)
                bv = jnp.where(m2, rlv, r0v)
                bi = jnp.where(m2, rli, r0i)
                nr0 = plsc.sort_key_val(av, ai)
                nr1 = plsc.sort_key_val(bv, bi)
                return nr0[0], nr0[1], nr1[0], nr1[1]

            return merge(carry)

        init = (jnp.full((L,), FMAX, jnp.float32), jnp.zeros((L,), jnp.int32),
                jnp.full((L,), FMAX, jnp.float32), jnp.zeros((L,), jnp.int32))
        r0v, r0i, r1v, r1i = lax.fori_loop(0, N // L, chunk_body, init,
                                           unroll=False)
        return r0i, r1i

    def group_body(g, _):
        for j in range(GROUP):
            r = g * GROUP + j
            r0i, r1i = topk_row(n0 + r)
            idxbuf[pl.ds(j * NK, L)] = r0i + gbase
            idxbuf[pl.ds(j * NK + L, L)] = r1i + gbase
        pltpu.async_copy(t_hbm.at[idxbuf], rowbuf, sem).wait()
        pltpu.sync_copy(
            rowbuf, out_hbm.at[pl.ds((row0 + g * GROUP) * NK, GROUP * NK)])
        return 0

    lax.fori_loop(0, ROWS_PER_W // GROUP, group_body, 0, unroll=False)


def _knn_gather_sc(pc1, t_tab):
    mesh = plsc.VectorSubcoreMesh(core_axis_name="c", subcore_axis_name="s")
    f = functools.partial(
        pl.kernel,
        out_type=jax.ShapeDtypeStruct((R * NK, TW), jnp.float32),
        mesh=mesh,
        scratch_types=[
            pltpu.VMEM((N,), jnp.float32),
            pltpu.VMEM((N,), jnp.float32),
            pltpu.VMEM((N,), jnp.float32),
            pltpu.VMEM((N,), jnp.float32),
            pltpu.VMEM((N,), jnp.float32),
            pltpu.VMEM((N,), jnp.float32),
            pltpu.VMEM((N,), jnp.float32),
            pltpu.VMEM((GROUP * NK,), jnp.int32),
            pltpu.VMEM((GROUP * NK, TW), jnp.float32),
            pltpu.SemaphoreType.DMA,
        ],
        compiler_params=pltpu.CompilerParams(needs_layout_passes=False,
                                             use_tc_tiling_on_sc=False),
    )(_k2_body)
    return f(pc1.reshape(B * 3 * N), t_tab).reshape(R, NK, TW)


def _k3a_body(g_ref, c_ref, acc_ref):
    step = pl.program_id(0)

    @pl.when(step == 0)
    def _():
        acc_ref[...] = jnp.zeros_like(acc_ref)

    h = g_ref[:, :, 0:OC] + c_ref[...][:, None, :]
    acc_ref[0:1, :] += jnp.sum(h, axis=(0, 1)).reshape(1, OC)
    acc_ref[1:2, :] += jnp.sum(h * h, axis=(0, 1)).reshape(1, OC)


def _k3b_body(g_ref, c_ref, fl_ref, w2_ref, gb_ref, acc_ref, o_ref):
    h = g_ref[:, :, 0:OC] + c_ref[...][:, None, :]
    mean = acc_ref[0:1, :].reshape(1, 1, OC) * (1.0 / M)
    ex2 = acc_ref[1:2, :].reshape(1, 1, OC) * (1.0 / M)
    var = ex2 - mean * mean
    gamma = w2_ref[1:2, :].reshape(1, 1, OC)
    beta = w2_ref[2:3, :].reshape(1, 1, OC)
    w2 = w2_ref[0:1, :].reshape(1, 1, OC)
    scale = gamma * lax.rsqrt(var + 1e-5)
    hn = (h - mean) * scale + beta
    hn = jnp.where(hn >= 0, hn, 0.1 * hn)
    s = jnp.sum(hn * w2, axis=2) + gb_ref[0, 0]
    s = s - jnp.max(s, axis=1, keepdims=True)
    e = jnp.exp(s)
    w = e / jnp.sum(e, axis=1, keepdims=True)
    gfl = g_ref[:, :, OC:OC + 3]
    o_ref[...] = fl_ref[...] + jnp.sum(w[:, :, None] * gfl, axis=1)


def _k3(g, c, fl_t, w2row, b2):
    TN = 512
    nb = R // TN
    acc = pl.pallas_call(
        _k3a_body,
        grid=(nb,),
        in_specs=[
            pl.BlockSpec((TN, NK, TW), lambda i: (i, 0, 0)),
            pl.BlockSpec((TN, OC), lambda i: (i, 0)),
        ],
        out_specs=pl.BlockSpec((2, OC), lambda i: (0, 0)),
        out_shape=jax.ShapeDtypeStruct((2, OC), jnp.float32),
    )(g, c)
    return pl.pallas_call(
        _k3b_body,
        grid=(nb,),
        in_specs=[
            pl.BlockSpec((TN, NK, TW), lambda i: (i, 0, 0)),
            pl.BlockSpec((TN, OC), lambda i: (i, 0)),
            pl.BlockSpec((TN, 3), lambda i: (i, 0)),
            pl.BlockSpec((3, OC), lambda i: (0, 0)),
            pl.BlockSpec((1, 1), lambda i: (0, 0)),
            pl.BlockSpec((2, OC), lambda i: (0, 0)),
        ],
        out_specs=pl.BlockSpec((TN, 3), lambda i: (i, 0)),
        out_shape=jax.ShapeDtypeStruct((R, 3), jnp.float32),
    )(g, c, fl_t, w2row, b2, acc)


def kernel(pc1, feat1, flow, W1, b1, gamma, beta, W2, b2):
    t_tab, c_tab = _k1_wrap(pc1, feat1, flow, W1, b1)
    g = _knn_gather_sc(pc1, t_tab)
    fl_t = jnp.transpose(flow, (0, 2, 1)).reshape(R, 3)
    w2row = jnp.stack([W2[0], gamma, beta], axis=0)
    out = _k3(g, c_tab, fl_t, w2row, b2.reshape(1, 1))
    return out.reshape(B, N, 3)

# --- scband reference (transcript-rebuilt; emitter-appended) ---
"""Pipeline reference for scband-refine-module-85976655331345 (READ-ONLY COPY).

The authoritative reference and input builder live on the scoring server;
editing this copy changes nothing except your own understanding.
"""

import jax, jax.numpy as jnp
import numpy as np

B, N, D, NK = 4, 4096, 64, 32
IN_CH = 3 + 2 * D  # 131


def square_distance(src, dst):
    # src: [B,N,C], dst: [B,M,C] -> [B,N,M]
    dist = -2.0 * jnp.matmul(src, jnp.transpose(dst, (0, 2, 1)))
    dist = dist + jnp.sum(src ** 2, axis=-1)[:, :, None]
    dist = dist + jnp.sum(dst ** 2, axis=-1)[:, None, :]
    return dist


def index_points_group(points, knn_idx):
    # points: [B,N,C], knn_idx: [B,N,K] -> [B,N,K,C]
    return jax.vmap(lambda p, i: p[i])(points, knn_idx)


def setup_inputs(seed: int = 0) -> dict:
    key = jax.random.key(seed)
    ks = jax.random.split(key, 6)
    return {
        "pc1": jax.random.normal(ks[0], (B, 3, N), dtype=jnp.float32),
        "feat1": jax.random.normal(ks[1], (B, D, N), dtype=jnp.float32),
        "flow": jax.random.normal(ks[2], (B, 3, N), dtype=jnp.float32),
        "W1": jax.random.normal(ks[3], (32, IN_CH), dtype=jnp.float32) * 0.05,
        "b1": jnp.zeros((32,), dtype=jnp.float32),
        "gamma": jnp.ones((32,), dtype=jnp.float32),
        "beta": jnp.zeros((32,), dtype=jnp.float32),
        "W2": jax.random.normal(ks[4], (1, 32), dtype=jnp.float32) * 0.05,
        "b2": jnp.zeros((1,), dtype=jnp.float32),
    }


def reference(pc1, feat1, flow, W1, b1, gamma, beta, W2, b2):
    p = jnp.transpose(pc1, (0, 2, 1))    # [B,N,3]
    f = jnp.transpose(feat1, (0, 2, 1))  # [B,N,D]
    fl = jnp.transpose(flow, (0, 2, 1))  # [B,N,3]

    sqrdist11 = square_distance(p, p)                    # [B,N,N]
    neg_vals, kidx = jax.lax.top_k(-sqrdist11, NK)       # smallest NK dists
    # dist1 = -neg_vals  (unused downstream, as in the original)

    grouped_pc1 = index_points_group(p, kidx)            # [B,N,K,3]
    grouped_pc1_feat1 = index_points_group(f, kidx)      # [B,N,K,D]
    group_flow = index_points_group(fl, kidx)            # [B,N,K,3]

    xyz_diff = grouped_pc1 - p[:, :, None, :]
    feat_rep = jnp.broadcast_to(f[:, :, None, :], (B, N, NK, D))
    feat_diff = jnp.concatenate([grouped_pc1_feat1, feat_rep], axis=-1)
    fusion_diff = jnp.concatenate([xyz_diff, feat_diff], axis=-1)  # [B,N,K,IN_CH]

    # 1x1 Conv2d -> channel matmul
    h = jnp.einsum('bnkc,oc->bnko', fusion_diff, W1) + b1
    # BatchNorm2d (training-mode batch statistics, biased variance, eps=1e-5)
    mean = jnp.mean(h, axis=(0, 1, 2))
    var = jnp.var(h, axis=(0, 1, 2))
    h = (h - mean) / jnp.sqrt(var + 1e-5) * gamma + beta
    # LeakyReLU(0.1)
    h = jnp.where(h >= 0, h, 0.1 * h)
    # second 1x1 conv -> 1 channel
    re_weight = jnp.einsum('bnko,po->bnkp', h, W2) + b2  # [B,N,K,1]
    re_weight = jax.nn.softmax(re_weight, axis=2)
    reweight_flow = jnp.sum(re_weight * group_flow, axis=2)  # [B,N,3]
    return fl + reweight_flow

if __name__ == "__main__":
    import jax
    _d = setup_inputs()
    print(jax.jit(kernel)(*tuple(_d.values())))

</pallas_src>

<mosaic_0001>
#map = affine_map<(d0, d1) -> (0)>
#map1 = affine_map<(d0, d1) -> (0, 0)>
module attributes {stable_mosaic.version = 14 : i64} {
  func.func @_k2_body(%arg0: i32, %arg1: i32, %arg2: memref<49152xf32, #tpu.memory_space<hbm>>, %arg3: memref<16384x48xf32, #tpu.memory_space<hbm>>, %arg4: memref<524288x48xf32, #tpu.memory_space<hbm>>, %arg5: memref<4096xf32, #tpu.memory_space<vmem>>, %arg6: memref<4096xf32, #tpu.memory_space<vmem>>, %arg7: memref<4096xf32, #tpu.memory_space<vmem>>, %arg8: memref<4096xf32, #tpu.memory_space<vmem>>, %arg9: memref<4096xf32, #tpu.memory_space<vmem>>, %arg10: memref<4096xf32, #tpu.memory_space<vmem>>, %arg11: memref<4096xf32, #tpu.memory_space<vmem>>, %arg12: memref<128xi32, #tpu.memory_space<vmem>>, %arg13: memref<128x48xf32, #tpu.memory_space<vmem>>, %arg14: memref<!tpu.dma_semaphore, #tpu.memory_space<semaphore_mem>>) attributes {dimension_semantics = [#tpu.dimension_semantics<core_parallel>, #tpu.dimension_semantics<subcore_parallel>], iteration_bounds = array<i64: 2, 16>, scalar_prefetch = 0 : i64, scratch_operands = 10 : i64, tpu.core_type = #tpu.core_type<sc_vector_subcore>, window_params = [{transform_indices = #map}, {transform_indices = #map1}, {transform_indices = #map1}]} {
    %mul3A = arith.constant 2 : i32
    %mul3A_0 = arith.muli %arg1, %mul3A : i32
    %add3A = arith.addi %mul3A_0, %arg0 : i32
    %jit3A = arith.constant 8 : i32
    %div3A = arith.divsi %add3A, %jit3A : i32
    %sign3A = arith.constant 0 : i32
    %sign3A_1 = arith.cmpi sgt, %add3A, %sign3A : i32
    %sign3A_2 = arith.extui %sign3A_1 : i1 to i32
    %sign3A_3 = arith.constant 0 : i32
    %sign3A_4 = arith.cmpi slt, %add3A, %sign3A_3 : i32
    %sign3A_5 = arith.extui %sign3A_4 : i1 to i32
    %sign3A_6 = arith.subi %sign3A_2, %sign3A_5 : i32
    %sign3A_7 = arith.constant 0 : i32
    %sign3A_8 = arith.cmpi sgt, %jit3A, %sign3A_7 : i32
    %sign3A_9 = arith.extui %sign3A_8 : i1 to i32
    %sign3A_10 = arith.constant 0 : i32
    %sign3A_11 = arith.cmpi slt, %jit3A, %sign3A_10 : i32
    %sign3A_12 = arith.extui %sign3A_11 : i1 to i32
    %sign3A_13 = arith.subi %sign3A_9, %sign3A_12 : i32
    %ne3A = arith.cmpi ne, %sign3A_6, %sign3A_13 : i32
    %rem3A = arith.remsi %add3A, %jit3A : i32
    %ne3A_14 = arith.constant 0 : i32
    %ne3A_15 = arith.cmpi ne, %rem3A, %ne3A_14 : i32
    %and3A = arith.andi %ne3A, %ne3A_15 : i1
    %sub3A = arith.constant 1 : i32
    %sub3A_16 = arith.subi %div3A, %sub3A : i32
    %select_n3A = arith.select %and3A, %sub3A_16, %div3A : i32
    %mul3A_17 = arith.constant 3 : i32
    %mul3A_18 = arith.muli %select_n3A, %mul3A_17 : i32
    %mul3A_19 = arith.constant 4096 : i32
    %mul3A_20 = arith.muli %mul3A_18, %mul3A_19 : i32
    "tpu.region"() ({
      %run_scoped3A = tpu.sem_alloc : memref<!tpu.dma_semaphore, #tpu.memory_space<semaphore_mem>>
      %dma_start3A = tpu.memref_slice %arg2[%mul3A_20] : memref<49152xf32, #tpu.memory_space<hbm>> -> memref<4096xf32, #tpu.memory_space<hbm>>
      %dma_start3A_66 = tpu.memref_slice %arg2[%mul3A_20] : memref<49152xf32, #tpu.memory_space<hbm>> -> memref<4096xf32, #tpu.memory_space<hbm>>
      tpu.enqueue_dma source(%dma_start3A_66 : memref<4096xf32, #tpu.memory_space<hbm>>) target(%arg5 : memref<4096xf32, #tpu.memory_space<vmem>>) target_semaphore(%run_scoped3A : memref<!tpu.dma_semaphore, #tpu.memory_space<semaphore_mem>>)
      %dma_wait3A = tpu.memref_slice %arg2[%mul3A_20] : memref<49152xf32, #tpu.memory_space<hbm>> -> memref<4096xf32, #tpu.memory_space<hbm>>
      %dma_wait3A_67 = tpu.memref_slice %arg2[%mul3A_20] : memref<49152xf32, #tpu.memory_space<hbm>> -> memref<4096xf32, #tpu.memory_space<hbm>>
      tpu.wait_dma2 semaphore(%run_scoped3A : memref<!tpu.dma_semaphore, #tpu.memory_space<semaphore_mem>>) src(%dma_wait3A_67 : memref<4096xf32, #tpu.memory_space<hbm>>) dst(%arg5 : memref<4096xf32, #tpu.memory_space<vmem>>)
      tpu.yield
    }) : () -> ()
    %mul3A_21 = arith.constant 3 : i32
    %mul3A_22 = arith.muli %select_n3A, %mul3A_21 : i32
    %mul3A_23 = arith.constant 4096 : i32
    %mul3A_24 = arith.muli %mul3A_22, %mul3A_23 : i32
    %add3A_25 = arith.constant 4096 : i32
    %add3A_26 = arith.addi %mul3A_24, %add3A_25 : i32
    "tpu.region"() ({
      %run_scoped3A = tpu.sem_alloc : memref<!tpu.dma_semaphore, #tpu.memory_space<semaphore_mem>>
      %dma_start3A = tpu.memref_slice %arg2[%add3A_26] : memref<49152xf32, #tpu.memory_space<hbm>> -> memref<4096xf32, #tpu.memory_space<hbm>>
      %dma_start3A_66 = tpu.memref_slice %arg2[%add3A_26] : memref<49152xf32, #tpu.memory_space<hbm>> -> memref<4096xf32, #tpu.memory_space<hbm>>
      tpu.enqueue_dma source(%dma_start3A_66 : memref<4096xf32, #tpu.memory_space<hbm>>) target(%arg6 : memref<4096xf32, #tpu.memory_space<vmem>>) target_semaphore(%run_scoped3A : memref<!tpu.dma_semaphore, #tpu.memory_space<semaphore_mem>>)
      %dma_wait3A = tpu.memref_slice %arg2[%add3A_26] : memref<49152xf32, #tpu.memory_space<hbm>> -> memref<4096xf32, #tpu.memory_space<hbm>>
      %dma_wait3A_67 = tpu.memref_slice %arg2[%add3A_26] : memref<49152xf32, #tpu.memory_space<hbm>> -> memref<4096xf32, #tpu.memory_space<hbm>>
      tpu.wait_dma2 semaphore(%run_scoped3A : memref<!tpu.dma_semaphore, #tpu.memory_space<semaphore_mem>>) src(%dma_wait3A_67 : memref<4096xf32, #tpu.memory_space<hbm>>) dst(%arg6 : memref<4096xf32, #tpu.memory_space<vmem>>)
      tpu.yield
    }) : () -> ()
    %mul3A_27 = arith.constant 3 : i32
    %mul3A_28 = arith.muli %select_n3A, %mul3A_27 : i32
    %mul3A_29 = arith.constant 4096 : i32
    %mul3A_30 = arith.muli %mul3A_28, %mul3A_29 : i32
    %add3A_31 = arith.constant 8192 : i32
    %add3A_32 = arith.addi %mul3A_30, %add3A_31 : i32
    "tpu.region"() ({
      %run_scoped3A = tpu.sem_alloc : memref<!tpu.dma_semaphore, #tpu.memory_space<semaphore_mem>>
      %dma_start3A = tpu.memref_slice %arg2[%add3A_32] : memref<49152xf32, #tpu.memory_space<hbm>> -> memref<4096xf32, #tpu.memory_space<hbm>>
      %dma_start3A_66 = tpu.memref_slice %arg2[%add3A_32] : memref<49152xf32, #tpu.memory_space<hbm>> -> memref<4096xf32, #tpu.memory_space<hbm>>
      tpu.enqueue_dma source(%dma_start3A_66 : memref<4096xf32, #tpu.memory_space<hbm>>) target(%arg7 : memref<4096xf32, #tpu.memory_space<vmem>>) target_semaphore(%run_scoped3A : memref<!tpu.dma_semaphore, #tpu.memory_space<semaphore_mem>>)
      %dma_wait3A = tpu.memref_slice %arg2[%add3A_32] : memref<49152xf32, #tpu.memory_space<hbm>> -> memref<4096xf32, #tpu.memory_space<hbm>>
      %dma_wait3A_67 = tpu.memref_slice %arg2[%add3A_32] : memref<49152xf32, #tpu.memory_space<hbm>> -> memref<4096xf32, #tpu.memory_space<hbm>>
      tpu.wait_dma2 semaphore(%run_scoped3A : memref<!tpu.dma_semaphore, #tpu.memory_space<semaphore_mem>>) src(%dma_wait3A_67 : memref<4096xf32, #tpu.memory_space<hbm>>) dst(%arg7 : memref<4096xf32, #tpu.memory_space<vmem>>)
      tpu.yield
    }) : () -> ()
    %mul3A_33 = arith.constant 512 : i32
    %mul3A_34 = arith.muli %add3A, %mul3A_33 : i32
    %jit3A_35 = arith.constant 8 : i32
    %eq3A = arith.constant 0 : i32
    %eq3A_36 = arith.cmpi eq, %jit3A_35, %eq3A : i32
    %jit3A_37 = arith.constant 1 : i32
    %select_n3A_38 = arith.select %eq3A_36, %jit3A_37, %jit3A_35 : i32
    %rem3A_39 = arith.remsi %add3A, %select_n3A_38 : i32
    %ne3A_40 = arith.constant 0 : i32
    %ne3A_41 = arith.cmpi ne, %rem3A_39, %ne3A_40 : i32
    %lt3A = arith.constant 0 : i32
    %lt3A_42 = arith.cmpi slt, %rem3A_39, %lt3A : i32
    %lt3A_43 = arith.constant 0 : i32
    %lt3A_44 = arith.cmpi slt, %select_n3A_38, %lt3A_43 : i32
    %ne3A_45 = arith.xori %lt3A_42, %lt3A_44 : i1
    %and3A_46 = arith.andi %ne3A_45, %ne3A_41 : i1
    %add3A_47 = arith.addi %rem3A_39, %select_n3A_38 : i32
    %select_n3A_48 = arith.select %and3A_46, %add3A_47, %rem3A_39 : i32
    %mul3A_49 = arith.constant 512 : i32
    %mul3A_50 = arith.muli %select_n3A_48, %mul3A_49 : i32
    %mul3A_51 = arith.constant 4096 : i32
    %mul3A_52 = arith.muli %select_n3A, %mul3A_51 : i32
    %scan3A = arith.constant 0 : i32
    %scan3A_53 = arith.constant 0 : i32
    %scan3A_54 = arith.constant 256 : i32
    %scan3A_55 = arith.addi %scan3A_53, %scan3A_54 : i32
    %scan3A_56 = arith.constant 1 : i32
    %scan3A_57 = scf.for %scan3A_66 = %scan3A_53 to %scan3A_55 step %scan3A_56 iter_args(%scan3A_67 = %scan3A) -> (i32)  : i32 {
      %mul3A_68 = arith.constant 16 : i32
      %mul3A_69 = arith.muli %scan3A_66, %mul3A_68 : i32
      %get3A = arith.index_cast %mul3A_69 : i32 to index
      %get3A_70 = tpu.vector_load %arg5[%get3A] {strides = array<i32>} : memref<4096xf32, #tpu.memory_space<vmem>>, vector<16xf32>,
      %get3A_71 = arith.index_cast %mul3A_69 : i32 to index
      %get3A_72 = tpu.vector_load %arg6[%get3A_71] {strides = array<i32>} : memref<4096xf32, #tpu.memory_space<vmem>>, vector<16xf32>,
      %get3A_73 = arith.index_cast %mul3A_69 : i32 to index
      %get3A_74 = tpu.vector_load %arg7[%get3A_73] {strides = array<i32>} : memref<4096xf32, #tpu.memory_space<vmem>>, vector<16xf32>,
      %bitcast3A = vector.bitcast %get3A_70 : vector<16xf32> to vector<16xi32>
      %add3A_75 = arith.constant 32767 : i32
      %add3A_76 = vector.broadcast %add3A_75 : i32 to vector<16xi32>
      %add3A_77 = arith.addi %bitcast3A, %add3A_76 : vector<16xi32>
      %shift_right_logical3A = arith.constant 16 : i32
      %shift_right_logical3A_78 = vector.broadcast %shift_right_logical3A : i32 to vector<16xi32>
      %shift_right_logical3A_79 = arith.shrui %bitcast3A, %shift_right_logical3A_78 : vector<16xi32>
      %and3A_80 = arith.constant 1 : i32
      %and3A_81 = vector.broadcast %and3A_80 : i32 to vector<16xi32>
      %and3A_82 = arith.andi %shift_right_logical3A_79, %and3A_81 : vector<16xi32>
      %add3A_83 = arith.addi %add3A_77, %and3A_82 : vector<16xi32>
      %and3A_84 = arith.constant -65536 : i32
      %and3A_85 = vector.broadcast %and3A_84 : i32 to vector<16xi32>
      %and3A_86 = arith.andi %add3A_83, %and3A_85 : vector<16xi32>
      %bitcast3A_87 = vector.bitcast %and3A_86 : vector<16xi32> to vector<16xf32>
      %swap3A = arith.index_cast %mul3A_69 : i32 to index
      %swap3A_88 = tpu.vector_load %arg8[%swap3A] {strides = array<i32>} : memref<4096xf32, #tpu.memory_space<vmem>>, vector<16xf32>,
      tpu.vector_store %arg8[%swap3A], %bitcast3A_87 {strides = array<i32>} : memref<4096xf32, #tpu.memory_space<vmem>>, vector<16xf32>,
      %bitcast3A_89 = vector.bitcast %get3A_72 : vector<16xf32> to vector<16xi32>
      %add3A_90 = arith.constant 32767 : i32
      %add3A_91 = vector.broadcast %add3A_90 : i32 to vector<16xi32>
      %add3A_92 = arith.addi %bitcast3A_89, %add3A_91 : vector<16xi32>
      %shift_right_logical3A_93 = arith.constant 16 : i32
      %shift_right_logical3A_94 = vector.broadcast %shift_right_logical3A_93 : i32 to vector<16xi32>
      %shift_right_logical3A_95 = arith.shrui %bitcast3A_89, %shift_right_logical3A_94 : vector<16xi32>
      %and3A_96 = arith.constant 1 : i32
      %and3A_97 = vector.broadcast %and3A_96 : i32 to vector<16xi32>
      %and3A_98 = arith.andi %shift_right_logical3A_95, %and3A_97 : vector<16xi32>
      %add3A_99 = arith.addi %add3A_92, %and3A_98 : vector<16xi32>
      %and3A_100 = arith.constant -65536 : i32
      %and3A_101 = vector.broadcast %and3A_100 : i32 to vector<16xi32>
      %and3A_102 = arith.andi %add3A_99, %and3A_101 : vector<16xi32>
      %bitcast3A_103 = vector.bitcast %and3A_102 : vector<16xi32> to vector<16xf32>
      %swap3A_104 = arith.index_cast %mul3A_69 : i32 to index
      %swap3A_105 = tpu.vector_load %arg9[%swap3A_104] {strides = array<i32>} : memref<4096xf32, #tpu.memory_space<vmem>>, vector<16xf32>,
      tpu.vector_store %arg9[%swap3A_104], %bitcast3A_103 {strides = array<i32>} : memref<4096xf32, #tpu.memory_space<vmem>>, vector<16xf32>,
      %bitcast3A_106 = vector.bitcast %get3A_74 : vector<16xf32> to vector<16xi32>
      %add3A_107 = arith.constant 32767 : i32
      %add3A_108 = vector.broadcast %add3A_107 : i32 to vector<16xi32>
      %add3A_109 = arith.addi %bitcast3A_106, %add3A_108 : vector<16xi32>
      %shift_right_logical3A_110 = arith.constant 16 : i32
      %shift_right_logical3A_111 = vector.broadcast %shift_right_logical3A_110 : i32 to vector<16xi32>
      %shift_right_logical3A_112 = arith.shrui %bitcast3A_106, %shift_right_logical3A_111 : vector<16xi32>
      %and3A_113 = arith.constant 1 : i32
      %and3A_114 = vector.broadcast %and3A_113 : i32 to vector<16xi32>
      %and3A_115 = arith.andi %shift_right_logical3A_112, %and3A_114 : vector<16xi32>
      %add3A_116 = arith.addi %add3A_109, %and3A_115 : vector<16xi32>
      %and3A_117 = arith.constant -65536 : i32
      %and3A_118 = vector.broadcast %and3A_117 : i32 to vector<16xi32>
      %and3A_119 = arith.andi %add3A_116, %and3A_118 : vector<16xi32>
      %bitcast3A_120 = vector.bitcast %and3A_119 : vector<16xi32> to vector<16xf32>
      %swap3A_121 = arith.index_cast %mul3A_69 : i32 to index
      %swap3A_122 = tpu.vector_load %arg10[%swap3A_121] {strides = array<i32>} : memref<4096xf32, #tpu.memory_space<vmem>>, vector<16xf32>,
      tpu.vector_store %arg10[%swap3A_121], %bitcast3A_120 {strides = array<i32>} : memref<4096xf32, #tpu.memory_space<vmem>>, vector<16xf32>,
      %mul3A_123 = arith.mulf %get3A_70, %get3A_70 : vector<16xf32>
      %mul3A_124 = arith.mulf %get3A_72, %get3A_72 : vector<16xf32>
      %add3A_125 = arith.addf %mul3A_123, %mul3A_124 : vector<16xf32>
      %mul3A_126 = arith.mulf %get3A_74, %get3A_74 : vector<16xf32>
      %add3A_127 = arith.addf %add3A_125, %mul3A_126 : vector<16xf32>
      %swap3A_128 = arith.index_cast %mul3A_69 : i32 to index
      %swap3A_129 = tpu.vector_load %arg11[%swap3A_128] {strides = array<i32>} : memref<4096xf32, #tpu.memory_space<vmem>>, vector<16xf32>,
      tpu.vector_store %arg11[%swap3A_128], %add3A_127 {strides = array<i32>} : memref<4096xf32, #tpu.memory_space<vmem>>, vector<16xf32>,
      %scan3A_130 = arith.constant 0 : i32
      scf.yield %scan3A_130 : i32
    }
    %scan3A_58 = arith.constant 256 : i32
    %scan3A_59 = arith.constant 0 : i32
    %scan3A_60 = arith.constant 0 : i32
    %scan3A_61 = arith.constant 128 : i32
    %scan3A_62 = arith.addi %scan3A_60, %scan3A_61 : i32
    %scan3A_63 = arith.constant 1 : i32
    %scan3A_64 = scf.for %scan3A_66 = %scan3A_60 to %scan3A_62 step %scan3A_63 iter_args(%scan3A_67 = %scan3A_59) -> (i32)  : i32 {
      %mul3A_68 = arith.constant 4 : i32
      %mul3A_69 = arith.muli %scan3A_66, %mul3A_68 : i32
      %add3A_70 = arith.constant 0 : i32
      %add3A_71 = arith.addi %mul3A_69, %add3A_70 : i32
      %add3A_72 = arith.addi %mul3A_50, %add3A_71 : i32
      %broadcast_in_dim3A = arith.constant 0 : i32
      %broadcast_in_dim3A_73 = vector.broadcast %broadcast_in_dim3A : i32 to vector<16xi32>
      %add3A_74 = vector.broadcast %add3A_72 : i32 to vector<16xi32>
      %add3A_75 = arith.addi %broadcast_in_dim3A_73, %add3A_74 : vector<16xi32>
      %gather3A = tpu.vector_load_idx %arg8[%add3A_75] : memref<4096xf32, #tpu.memory_space<vmem>>[vector<16xi32>], vector<16xf32>,
      %gather3A_76 = tpu.vector_load_idx %arg9[%add3A_75] : memref<4096xf32, #tpu.memory_space<vmem>>[vector<16xi32>], vector<16xf32>,
      %gather3A_77 = tpu.vector_load_idx %arg10[%add3A_75] : memref<4096xf32, #tpu.memory_space<vmem>>[vector<16xi32>], vector<16xf32>,
      %gather3A_78 = tpu.vector_load_idx %arg11[%add3A_75] : memref<4096xf32, #tpu.memory_space<vmem>>[vector<16xi32>], vector<16xf32>,
      %broadcast_in_dim3A_79 = arith.constant 3.400000e+38 : f32
      %broadcast_in_dim3A_80 = vector.broadcast %broadcast_in_dim3A_79 : f32 to vector<16xf32>
      %broadcast_in_dim3A_81 = arith.constant 0 : i32
      %broadcast_in_dim3A_82 = vector.broadcast %broadcast_in_dim3A_81 : i32 to vector<16xi32>
      %broadcast_in_dim3A_83 = arith.constant 3.400000e+38 : f32
      %broadcast_in_dim3A_84 = vector.broadcast %broadcast_in_dim3A_83 : f32 to vector<16xf32>
      %broadcast_in_dim3A_85 = arith.constant 0 : i32
      %broadcast_in_dim3A_86 = vector.broadcast %broadcast_in_dim3A_85 : i32 to vector<16xi32>
      %scan3A_87 = arith.constant 0 : i32
      %scan3A_88 = arith.constant 256 : i32
      %scan3A_89 = arith.addi %scan3A_87, %scan3A_88 : i32
      %scan3A_90 = arith.constant 1 : i32
      %scan3A_91:4 = scf.for %scan3A_215 = %scan3A_87 to %scan3A_89 step %scan3A_90 iter_args(%scan3A_216 = %broadcast_in_dim3A_80, %scan3A_217 = %broadcast_in_dim3A_82, %scan3A_218 = %broadcast_in_dim3A_84, %scan3A_219 = %broadcast_in_dim3A_86) -> (vector<16xf32>, vector<16xi32>, vector<16xf32>, vector<16xi32>)  : i32 {
        %mul3A_220 = arith.constant 16 : i32
        %mul3A_221 = arith.muli %scan3A_215, %mul3A_220 : i32
        %get3A = arith.index_cast %mul3A_221 : i32 to index
        %get3A_222 = tpu.vector_load %arg8[%get3A] {strides = array<i32>} : memref<4096xf32, #tpu.memory_space<vmem>>, vector<16xf32>,
        %get3A_223 = arith.index_cast %mul3A_221 : i32 to index
        %get3A_224 = tpu.vector_load %arg9[%get3A_223] {strides = array<i32>} : memref<4096xf32, #tpu.memory_space<vmem>>, vector<16xf32>,
        %get3A_225 = arith.index_cast %mul3A_221 : i32 to index
        %get3A_226 = tpu.vector_load %arg10[%get3A_225] {strides = array<i32>} : memref<4096xf32, #tpu.memory_space<vmem>>, vector<16xf32>,
        %mul3A_227 = arith.mulf %get3A_222, %gather3A : vector<16xf32>
        %mul3A_228 = arith.mulf %get3A_224, %gather3A_76 : vector<16xf32>
        %add3A_229 = arith.addf %mul3A_227, %mul3A_228 : vector<16xf32>
        %mul3A_230 = arith.mulf %get3A_226, %gather3A_77 : vector<16xf32>
        %add3A_231 = arith.addf %add3A_229, %mul3A_230 : vector<16xf32>
        %mul3A_232 = arith.constant -2.000000e+00 : f32
        %mul3A_233 = vector.broadcast %mul3A_232 : f32 to vector<16xf32>
        %mul3A_234 = arith.mulf %mul3A_233, %add3A_231 : vector<16xf32>
        %add3A_235 = arith.addf %mul3A_234, %gather3A_78 : vector<16xf32>
        %get3A_236 = arith.index_cast %mul3A_221 : i32 to index
        %get3A_237 = tpu.vector_load %arg11[%get3A_236] {strides = array<i32>} : memref<4096xf32, #tpu.memory_space<vmem>>, vector<16xf32>,
        %add3A_238 = arith.addf %add3A_235, %get3A_237 : vector<16xf32>
        %iota3A = tpu.iota {dimensions = array<i32: 0>} : vector<16xi32>
        %add3A_239 = vector.broadcast %mul3A_221 : i32 to vector<16xi32>
        %add3A_240 = arith.addi %iota3A, %add3A_239 : vector<16xi32>
        %masked_sort3A = arith.constant dense<true> : vector<16xi1>
        %masked_sort3A_241, %masked_sort3A_242, %masked_sort3A_243 = tpu.sort %add3A_238, %add3A_240 masked %masked_sort3A {descending = true} : (vector<16xf32>, vector<16xi32>, vector<16xi1>) -> (vector<16xi1>, vector<16xf32>, vector<16xi32>)
        %le3A = arith.cmpf ole, %scan3A_218, %masked_sort3A_242 : vector<16xf32>
        %select_n3A_244 = arith.select %le3A, %scan3A_218, %masked_sort3A_242 : vector<16xi1>, vector<16xf32>
        %select_n3A_245 = arith.select %le3A, %scan3A_219, %masked_sort3A_243 : vector<16xi1>, vector<16xi32>
        %masked_sort3A_246 = arith.constant dense<true> : vector<16xi1>
        %masked_sort3A_247, %masked_sort3A_248, %masked_sort3A_249 = tpu.sort %select_n3A_244, %select_n3A_245 masked %masked_sort3A_246 {descending = true} : (vector<16xf32>, vector<16xi32>, vector<16xi1>) -> (vector<16xi1>, vector<16xf32>, vector<16xi32>)
        %le3A_250 = arith.cmpf ole, %scan3A_216, %masked_sort3A_248 : vector<16xf32>
        %select_n3A_251 = arith.select %le3A_250, %scan3A_216, %masked_sort3A_248 : vector<16xi1>, vector<16xf32>
        %select_n3A_252 = arith.select %le3A_250, %scan3A_217, %masked_sort3A_249 : vector<16xi1>, vector<16xi32>
        %select_n3A_253 = arith.select %le3A_250, %masked_sort3A_248, %scan3A_216 : vector<16xi1>, vector<16xf32>
        %select_n3A_254 = arith.select %le3A_250, %masked_sort3A_249, %scan3A_217 : vector<16xi1>, vector<16xi32>
        %masked_sort3A_255 = arith.constant dense<true> : vector<16xi1>
        %masked_sort3A_256, %masked_sort3A_257, %masked_sort3A_258 = tpu.sort %select_n3A_251, %select_n3A_252 masked %masked_sort3A_255 : (vector<16xf32>, vector<16xi32>, vector<16xi1>) -> (vector<16xi1>, vector<16xf32>, vector<16xi32>)
        %masked_sort3A_259 = arith.constant dense<true> : vector<16xi1>
        %masked_sort3A_260, %masked_sort3A_261, %masked_sort3A_262 = tpu.sort %select_n3A_253, %select_n3A_254 masked %masked_sort3A_259 : (vector<16xf32>, vector<16xi32>, vector<16xi1>) -> (vector<16xi1>, vector<16xf32>, vector<16xi32>)
        scf.yield %masked_sort3A_257, %masked_sort3A_258, %masked_sort3A_261, %masked_sort3A_262 : vector<16xf32>, vector<16xi32>, vector<16xf32>, vector<16xi32>
      }
      %scan3A_92 = arith.constant 256 : i32
      %add3A_93 = vector.broadcast %mul3A_52 : i32 to vector<16xi32>
      %add3A_94 = arith.addi %scan3A_91#1, %add3A_93 : vector<16xi32>
      %swap3A = arith.constant 0 : index
      %swap3A_95 = tpu.vector_load %arg12[%swap3A] {strides = array<i32>} : memref<128xi32, #tpu.memory_space<vmem>>, vector<16xi32>,
      tpu.vector_store %arg12[%swap3A], %add3A_94 {strides = array<i32>} : memref<128xi32, #tpu.memory_space<vmem>>, vector<16xi32>,
      %add3A_96 = vector.broadcast %mul3A_52 : i32 to vector<16xi32>
      %add3A_97 = arith.addi %scan3A_91#3, %add3A_96 : vector<16xi32>
      %swap3A_98 = arith.constant 16 : index
      %swap3A_99 = tpu.vector_load %arg12[%swap3A_98] {strides = array<i32>} : memref<128xi32, #tpu.memory_space<vmem>>, vector<16xi32>,
      tpu.vector_store %arg12[%swap3A_98], %add3A_97 {strides = array<i32>} : memref<128xi32, #tpu.memory_space<vmem>>, vector<16xi32>,
      %mul3A_100 = arith.constant 4 : i32
      %mul3A_101 = arith.muli %scan3A_66, %mul3A_100 : i32
      %add3A_102 = arith.constant 1 : i32
      %add3A_103 = arith.addi %mul3A_101, %add3A_102 : i32
      %add3A_104 = arith.addi %mul3A_50, %add3A_103 : i32
      %broadcast_in_dim3A_105 = arith.constant 0 : i32
      %broadcast_in_dim3A_106 = vector.broadcast %broadcast_in_dim3A_105 : i32 to vector<16xi32>
      %add3A_107 = vector.broadcast %add3A_104 : i32 to vector<16xi32>
      %add3A_108 = arith.addi %broadcast_in_dim3A_106, %add3A_107 : vector<16xi32>
      %gather3A_109 = tpu.vector_load_idx %arg8[%add3A_108] : memref<4096xf32, #tpu.memory_space<vmem>>[vector<16xi32>], vector<16xf32>,
      %gather3A_110 = tpu.vector_load_idx %arg9[%add3A_108] : memref<4096xf32, #tpu.memory_space<vmem>>[vector<16xi32>], vector<16xf32>,
      %gather3A_111 = tpu.vector_load_idx %arg10[%add3A_108] : memref<4096xf32, #tpu.memory_space<vmem>>[vector<16xi32>], vector<16xf32>,
      %gather3A_112 = tpu.vector_load_idx %arg11[%add3A_108] : memref<4096xf32, #tpu.memory_space<vmem>>[vector<16xi32>], vector<16xf32>,
      %broadcast_in_dim3A_113 = arith.constant 3.400000e+38 : f32
      %broadcast_in_dim3A_114 = vector.broadcast %broadcast_in_dim3A_113 : f32 to vector<16xf32>
      %broadcast_in_dim3A_115 = arith.constant 0 : i32
      %broadcast_in_dim3A_116 = vector.broadcast %broadcast_in_dim3A_115 : i32 to vector<16xi32>
      %broadcast_in_dim3A_117 = arith.constant 3.400000e+38 : f32
      %broadcast_in_dim3A_118 = vector.broadcast %broadcast_in_dim3A_117 : f32 to vector<16xf32>
      %broadcast_in_dim3A_119 = arith.constant 0 : i32
      %broadcast_in_dim3A_120 = vector.broadcast %broadcast_in_dim3A_119 : i32 to vector<16xi32>
      %scan3A_121 = arith.constant 0 : i32
      %scan3A_122 = arith.constant 256 : i32
      %scan3A_123 = arith.addi %scan3A_121, %scan3A_122 : i32
      %scan3A_124 = arith.constant 1 : i32
      %scan3A_125:4 = scf.for %scan3A_215 = %scan3A_121 to %scan3A_123 step %scan3A_124 iter_args(%scan3A_216 = %broadcast_in_dim3A_114, %scan3A_217 = %broadcast_in_dim3A_116, %scan3A_218 = %broadcast_in_dim3A_118, %scan3A_219 = %broadcast_in_dim3A_120) -> (vector<16xf32>, vector<16xi32>, vector<16xf32>, vector<16xi32>)  : i32 {
        %mul3A_220 = arith.constant 16 : i32
        %mul3A_221 = arith.muli %scan3A_215, %mul3A_220 : i32
        %get3A = arith.index_cast %mul3A_221 : i32 to index
        %get3A_222 = tpu.vector_load %arg8[%get3A] {strides = array<i32>} : memref<4096xf32, #tpu.memory_space<vmem>>, vector<16xf32>,
        %get3A_223 = arith.index_cast %mul3A_221 : i32 to index
        %get3A_224 = tpu.vector_load %arg9[%get3A_223] {strides = array<i32>} : memref<4096xf32, #tpu.memory_space<vmem>>, vector<16xf32>,
        %get3A_225 = arith.index_cast %mul3A_221 : i32 to index
        %get3A_226 = tpu.vector_load %arg10[%get3A_225] {strides = array<i32>} : memref<4096xf32, #tpu.memory_space<vmem>>, vector<16xf32>,
        %mul3A_227 = arith.mulf %get3A_222, %gather3A_109 : vector<16xf32>
        %mul3A_228 = arith.mulf %get3A_224, %gather3A_110 : vector<16xf32>
        %add3A_229 = arith.addf %mul3A_227, %mul3A_228 : vector<16xf32>
        %mul3A_230 = arith.mulf %get3A_226, %gather3A_111 : vector<16xf32>
        %add3A_231 = arith.addf %add3A_229, %mul3A_230 : vector<16xf32>
        %mul3A_232 = arith.constant -2.000000e+00 : f32
        %mul3A_233 = vector.broadcast %mul3A_232 : f32 to vector<16xf32>
        %mul3A_234 = arith.mulf %mul3A_233, %add3A_231 : vector<16xf32>
        %add3A_235 = arith.addf %mul3A_234, %gather3A_112 : vector<16xf32>
        %get3A_236 = arith.index_cast %mul3A_221 : i32 to index
        %get3A_237 = tpu.vector_load %arg11[%get3A_236] {strides = array<i32>} : memref<4096xf32, #tpu.memory_space<vmem>>, vector<16xf32>,
        %add3A_238 = arith.addf %add3A_235, %get3A_237 : vector<16xf32>
        %iota3A = tpu.iota {dimensions = array<i32: 0>} : vector<16xi32>
        %add3A_239 = vector.broadcast %mul3A_221 : i32 to vector<16xi32>
        %add3A_240 = arith.addi %iota3A, %add3A_239 : vector<16xi32>
        %masked_sort3A = arith.constant dense<true> : vector<16xi1>
        %masked_sort3A_241, %masked_sort3A_242, %masked_sort3A_243 = tpu.sort %add3A_238, %add3A_240 masked %masked_sort3A {descending = true} : (vector<16xf32>, vector<16xi32>, vector<16xi1>) -> (vector<16xi1>, vector<16xf32>, vector<16xi32>)
        %le3A = arith.cmpf ole, %scan3A_218, %masked_sort3A_242 : vector<16xf32>
        %select_n3A_244 = arith.select %le3A, %scan3A_218, %masked_sort3A_242 : vector<16xi1>, vector<16xf32>
        %select_n3A_245 = arith.select %le3A, %scan3A_219, %masked_sort3A_243 : vector<16xi1>, vector<16xi32>
        %masked_sort3A_246 = arith.constant dense<true> : vector<16xi1>
        %masked_sort3A_247, %masked_sort3A_248, %masked_sort3A_249 = tpu.sort %select_n3A_244, %select_n3A_245 masked %masked_sort3A_246 {descending = true} : (vector<16xf32>, vector<16xi32>, vector<16xi1>) -> (vector<16xi1>, vector<16xf32>, vector<16xi32>)
        %le3A_250 = arith.cmpf ole, %scan3A_216, %masked_sort3A_248 : vector<16xf32>
        %select_n3A_251 = arith.select %le3A_250, %scan3A_216, %masked_sort3A_248 : vector<16xi1>, vector<16xf32>
        %select_n3A_252 = arith.select %le3A_250, %scan3A_217, %masked_sort3A_249 : vector<16xi1>, vector<16xi32>
        %select_n3A_253 = arith.select %le3A_250, %masked_sort3A_248, %scan3A_216 : vector<16xi1>, vector<16xf32>
        %select_n3A_254 = arith.select %le3A_250, %masked_sort3A_249, %scan3A_217 : vector<16xi1>, vector<16xi32>
        %masked_sort3A_255 = arith.constant dense<true> : vector<16xi1>
        %masked_sort3A_256, %masked_sort3A_257, %masked_sort3A_258 = tpu.sort %select_n3A_251, %select_n3A_252 masked %masked_sort3A_255 : (vector<16xf32>, vector<16xi32>, vector<16xi1>) -> (vector<16xi1>, vector<16xf32>, vector<16xi32>)
        %masked_sort3A_259 = arith.constant dense<true> : vector<16xi1>
        %masked_sort3A_260, %masked_sort3A_261, %masked_sort3A_262 = tpu.sort %select_n3A_253, %select_n3A_254 masked %masked_sort3A_259 : (vector<16xf32>, vector<16xi32>, vector<16xi1>) -> (vector<16xi1>, vector<16xf32>, vector<16xi32>)
        scf.yield %masked_sort3A_257, %masked_sort3A_258, %masked_sort3A_261, %masked_sort3A_262 : vector<16xf32>, vector<16xi32>, vector<16xf32>, vector<16xi32>
      }
      %scan3A_126 = arith.constant 256 : i32
      %add3A_127 = vector.broadcast %mul3A_52 : i32 to vector<16xi32>
      %add3A_128 = arith.addi %scan3A_125#1, %add3A_127 : vector<16xi32>
      %swap3A_129 = arith.constant 32 : index
      %swap3A_130 = tpu.vector_load %arg12[%swap3A_129] {strides = array<i32>} : memref<128xi32, #tpu.memory_space<vmem>>, vector<16xi32>,
      tpu.vector_store %arg12[%swap3A_129], %add3A_128 {strides = array<i32>} : memref<128xi32, #tpu.memory_space<vmem>>, vector<16xi32>,
      %add3A_131 = vector.broadcast %mul3A_52 : i32 to vector<16xi32>
      %add3A_132 = arith.addi %scan3A_125#3, %add3A_131 : vector<16xi32>
      %swap3A_133 = arith.constant 48 : index
      %swap3A_134 = tpu.vector_load %arg12[%swap3A_133] {strides = array<i32>} : memref<128xi32, #tpu.memory_space<vmem>>, vector<16xi32>,
      tpu.vector_store %arg12[%swap3A_133], %add3A_132 {strides = array<i32>} : memref<128xi32, #tpu.memory_space<vmem>>, vector<16xi32>,
      %mul3A_135 = arith.constant 4 : i32
      %mul3A_136 = arith.muli %scan3A_66, %mul3A_135 : i32
      %add3A_137 = arith.constant 2 : i32
      %add3A_138 = arith.addi %mul3A_136, %add3A_137 : i32
      %add3A_139 = arith.addi %mul3A_50, %add3A_138 : i32
      %broadcast_in_dim3A_140 = arith.constant 0 : i32
      %broadcast_in_dim3A_141 = vector.broadcast %broadcast_in_dim3A_140 : i32 to vector<16xi32>
      %add3A_142 = vector.broadcast %add3A_139 : i32 to vector<16xi32>
      %add3A_143 = arith.addi %broadcast_in_dim3A_141, %add3A_142 : vector<16xi32>
      %gather3A_144 = tpu.vector_load_idx %arg8[%add3A_143] : memref<4096xf32, #tpu.memory_space<vmem>>[vector<16xi32>], vector<16xf32>,
      %gather3A_145 = tpu.vector_load_idx %arg9[%add3A_143] : memref<4096xf32, #tpu.memory_space<vmem>>[vector<16xi32>], vector<16xf32>,
      %gather3A_146 = tpu.vector_load_idx %arg10[%add3A_143] : memref<4096xf32, #tpu.memory_space<vmem>>[vector<16xi32>], vector<16xf32>,
      %gather3A_147 = tpu.vector_load_idx %arg11[%add3A_143] : memref<4096xf32, #tpu.memory_space<vmem>>[vector<16xi32>], vector<16xf32>,
      %broadcast_in_dim3A_148 = arith.constant 3.400000e+38 : f32
      %broadcast_in_dim3A_149 = vector.broadcast %broadcast_in_dim3A_148 : f32 to vector<16xf32>
      %broadcast_in_dim3A_150 = arith.constant 0 : i32
      %broadcast_in_dim3A_151 = vector.broadcast %broadcast_in_dim3A_150 : i32 to vector<16xi32>
      %broadcast_in_dim3A_152 = arith.constant 3.400000e+38 : f32
      %broadcast_in_dim3A_153 = vector.broadcast %broadcast_in_dim3A_152 : f32 to vector<16xf32>
      %broadcast_in_dim3A_154 = arith.constant 0 : i32
      %broadcast_in_dim3A_155 = vector.broadcast %broadcast_in_dim3A_154 : i32 to vector<16xi32>
      %scan3A_156 = arith.constant 0 : i32
      %scan3A_157 = arith.constant 256 : i32
      %scan3A_158 = arith.addi %scan3A_156, %scan3A_157 : i32
      %scan3A_159 = arith.constant 1 : i32
      %scan3A_160:4 = scf.for %scan3A_215 = %scan3A_156 to %scan3A_158 step %scan3A_159 iter_args(%scan3A_216 = %broadcast_in_dim3A_149, %scan3A_217 = %broadcast_in_dim3A_151, %scan3A_218 = %broadcast_in_dim3A_153, %scan3A_219 = %broadcast_in_dim3A_155) -> (vector<16xf32>, vector<16xi32>, vector<16xf32>, vector<16xi32>)  : i32 {
        %mul3A_220 = arith.constant 16 : i32
        %mul3A_221 = arith.muli %scan3A_215, %mul3A_220 : i32
        %get3A = arith.index_cast %mul3A_221 : i32 to index
        %get3A_222 = tpu.vector_load %arg8[%get3A] {strides = array<i32>} : memref<4096xf32, #tpu.memory_space<vmem>>, vector<16xf32>,
        %get3A_223 = arith.index_cast %mul3A_221 : i32 to index
        %get3A_224 = tpu.vector_load %arg9[%get3A_223] {strides = array<i32>} : memref<4096xf32, #tpu.memory_space<vmem>>, vector<16xf32>,
        %get3A_225 = arith.index_cast %mul3A_221 : i32 to index
        %get3A_226 = tpu.vector_load %arg10[%get3A_225] {strides = array<i32>} : memref<4096xf32, #tpu.memory_space<vmem>>, vector<16xf32>,
        %mul3A_227 = arith.mulf %get3A_222, %gather3A_144 : vector<16xf32>
        %mul3A_228 = arith.mulf %get3A_224, %gather3A_145 : vector<16xf32>
        %add3A_229 = arith.addf %mul3A_227, %mul3A_228 : vector<16xf32>
        %mul3A_230 = arith.mulf %get3A_226, %gather3A_146 : vector<16xf32>
        %add3A_231 = arith.addf %add3A_229, %mul3A_230 : vector<16xf32>
        %mul3A_232 = arith.constant -2.000000e+00 : f32
        %mul3A_233 = vector.broadcast %mul3A_232 : f32 to vector<16xf32>
        %mul3A_234 = arith.mulf %mul3A_233, %add3A_231 : vector<16xf32>
        %add3A_235 = arith.addf %mul3A_234, %gather3A_147 : vector<16xf32>
        %get3A_236 = arith.index_cast %mul3A_221 : i32 to index
        %get3A_237 = tpu.vector_load %arg11[%get3A_236] {strides = array<i32>} : memref<4096xf32, #tpu.memory_space<vmem>>, vector<16xf32>,
        %add3A_238 = arith.addf %add3A_235, %get3A_237 : vector<16xf32>
        %iota3A = tpu.iota {dimensions = array<i32: 0>} : vector<16xi32>
        %add3A_239 = vector.broadcast %mul3A_221 : i32 to vector<16xi32>
        %add3A_240 = arith.addi %iota3A, %add3A_239 : vector<16xi32>
        %masked_sort3A = arith.constant dense<true> : vector<16xi1>
        %masked_sort3A_241, %masked_sort3A_242, %masked_sort3A_243 = tpu.sort %add3A_238, %add3A_240 masked %masked_sort3A {descending = true} : (vector<16xf32>, vector<16xi32>, vector<16xi1>) -> (vector<16xi1>, vector<16xf32>, vector<16xi32>)
        %le3A = arith.cmpf ole, %scan3A_218, %masked_sort3A_242 : vector<16xf32>
        %select_n3A_244 = arith.select %le3A, %scan3A_218, %masked_sort3A_242 : vector<16xi1>, vector<16xf32>
        %select_n3A_245 = arith.select %le3A, %scan3A_219, %masked_sort3A_243 : vector<16xi1>, vector<16xi32>
        %masked_sort3A_246 = arith.constant dense<true> : vector<16xi1>
        %masked_sort3A_247, %masked_sort3A_248, %masked_sort3A_249 = tpu.sort %select_n3A_244, %select_n3A_245 masked %masked_sort3A_246 {descending = true} : (vector<16xf32>, vector<16xi32>, vector<16xi1>) -> (vector<16xi1>, vector<16xf32>, vector<16xi32>)
        %le3A_250 = arith.cmpf ole, %scan3A_216, %masked_sort3A_248 : vector<16xf32>
        %select_n3A_251 = arith.select %le3A_250, %scan3A_216, %masked_sort3A_248 : vector<16xi1>, vector<16xf32>
        %select_n3A_252 = arith.select %le3A_250, %scan3A_217, %masked_sort3A_249 : vector<16xi1>, vector<16xi32>
        %select_n3A_253 = arith.select %le3A_250, %masked_sort3A_248, %scan3A_216 : vector<16xi1>, vector<16xf32>
        %select_n3A_254 = arith.select %le3A_250, %masked_sort3A_249, %scan3A_217 : vector<16xi1>, vector<16xi32>
        %masked_sort3A_255 = arith.constant dense<true> : vector<16xi1>
        %masked_sort3A_256, %masked_sort3A_257, %masked_sort3A_258 = tpu.sort %select_n3A_251, %select_n3A_252 masked %masked_sort3A_255 : (vector<16xf32>, vector<16xi32>, vector<16xi1>) -> (vector<16xi1>, vector<16xf32>, vector<16xi32>)
        %masked_sort3A_259 = arith.constant dense<true> : vector<16xi1>
        %masked_sort3A_260, %masked_sort3A_261, %masked_sort3A_262 = tpu.sort %select_n3A_253, %select_n3A_254 masked %masked_sort3A_259 : (vector<16xf32>, vector<16xi32>, vector<16xi1>) -> (vector<16xi1>, vector<16xf32>, vector<16xi32>)
        scf.yield %masked_sort3A_257, %masked_sort3A_258, %masked_sort3A_261, %masked_sort3A_262 : vector<16xf32>, vector<16xi32>, vector<16xf32>, vector<16xi32>
      }
      %scan3A_161 = arith.constant 256 : i32
      %add3A_162 = vector.broadcast %mul3A_52 : i32 to vector<16xi32>
      %add3A_163 = arith.addi %scan3A_160#1, %add3A_162 : vector<16xi32>
      %swap3A_164 = arith.constant 64 : index
      %swap3A_165 = tpu.vector_load %arg12[%swap3A_164] {strides = array<i32>} : memref<128xi32, #tpu.memory_space<vmem>>, vector<16xi32>,
      tpu.vector_store %arg12[%swap3A_164], %add3A_163 {strides = array<i32>} : memref<128xi32, #tpu.memory_space<vmem>>, vector<16xi32>,
      %add3A_166 = vector.broadcast %mul3A_52 : i32 to vector<16xi32>
      %add3A_167 = arith.addi %scan3A_160#3, %add3A_166 : vector<16xi32>
      %swap3A_168 = arith.constant 80 : index
      %swap3A_169 = tpu.vector_load %arg12[%swap3A_168] {strides = array<i32>} : memref<128xi32, #tpu.memory_space<vmem>>, vector<16xi32>,
      tpu.vector_store %arg12[%swap3A_168], %add3A_167 {strides = array<i32>} : memref<128xi32, #tpu.memory_space<vmem>>, vector<16xi32>,
      %mul3A_170 = arith.constant 4 : i32
      %mul3A_171 = arith.muli %scan3A_66, %mul3A_170 : i32
      %add3A_172 = arith.constant 3 : i32
      %add3A_173 = arith.addi %mul3A_171, %add3A_172 : i32
      %add3A_174 = arith.addi %mul3A_50, %add3A_173 : i32
      %broadcast_in_dim3A_175 = arith.constant 0 : i32
      %broadcast_in_dim3A_176 = vector.broadcast %broadcast_in_dim3A_175 : i32 to vector<16xi32>
      %add3A_177 = vector.broadcast %add3A_174 : i32 to vector<16xi32>
      %add3A_178 = arith.addi %broadcast_in_dim3A_176, %add3A_177 : vector<16xi32>
      %gather3A_179 = tpu.vector_load_idx %arg8[%add3A_178] : memref<4096xf32, #tpu.memory_space<vmem>>[vector<16xi32>], vector<16xf32>,
      %gather3A_180 = tpu.vector_load_idx %arg9[%add3A_178] : memref<4096xf32, #tpu.memory_space<vmem>>[vector<16xi32>], vector<16xf32>,
      %gather3A_181 = tpu.vector_load_idx %arg10[%add3A_178] : memref<4096xf32, #tpu.memory_space<vmem>>[vector<16xi32>], vector<16xf32>,
      %gather3A_182 = tpu.vector_load_idx %arg11[%add3A_178] : memref<4096xf32, #tpu.memory_space<vmem>>[vector<16xi32>], vector<16xf32>,
      %broadcast_in_dim3A_183 = arith.constant 3.400000e+38 : f32
      %broadcast_in_dim3A_184 = vector.broadcast %broadcast_in_dim3A_183 : f32 to vector<16xf32>
      %broadcast_in_dim3A_185 = arith.constant 0 : i32
      %broadcast_in_dim3A_186 = vector.broadcast %broadcast_in_dim3A_185 : i32 to vector<16xi32>
      %broadcast_in_dim3A_187 = arith.constant 3.400000e+38 : f32
      %broadcast_in_dim3A_188 = vector.broadcast %broadcast_in_dim3A_187 : f32 to vector<16xf32>
      %broadcast_in_dim3A_189 = arith.constant 0 : i32
      %broadcast_in_dim3A_190 = vector.broadcast %broadcast_in_dim3A_189 : i32 to vector<16xi32>
      %scan3A_191 = arith.constant 0 : i32
      %scan3A_192 = arith.constant 256 : i32
      %scan3A_193 = arith.addi %scan3A_191, %scan3A_192 : i32
      %scan3A_194 = arith.constant 1 : i32
      %scan3A_195:4 = scf.for %scan3A_215 = %scan3A_191 to %scan3A_193 step %scan3A_194 iter_args(%scan3A_216 = %broadcast_in_dim3A_184, %scan3A_217 = %broadcast_in_dim3A_186, %scan3A_218 = %broadcast_in_dim3A_188, %scan3A_219 = %broadcast_in_dim3A_190) -> (vector<16xf32>, vector<16xi32>, vector<16xf32>, vector<16xi32>)  : i32 {
        %mul3A_220 = arith.constant 16 : i32
        %mul3A_221 = arith.muli %scan3A_215, %mul3A_220 : i32
        %get3A = arith.index_cast %mul3A_221 : i32 to index
        %get3A_222 = tpu.vector_load %arg8[%get3A] {strides = array<i32>} : memref<4096xf32, #tpu.memory_space<vmem>>, vector<16xf32>,
        %get3A_223 = arith.index_cast %mul3A_221 : i32 to index
        %get3A_224 = tpu.vector_load %arg9[%get3A_223] {strides = array<i32>} : memref<4096xf32, #tpu.memory_space<vmem>>, vector<16xf32>,
        %get3A_225 = arith.index_cast %mul3A_221 : i32 to index
        %get3A_226 = tpu.vector_load %arg10[%get3A_225] {strides = array<i32>} : memref<4096xf32, #tpu.memory_space<vmem>>, vector<16xf32>,
        %mul3A_227 = arith.mulf %get3A_222, %gather3A_179 : vector<16xf32>
        %mul3A_228 = arith.mulf %get3A_224, %gather3A_180 : vector<16xf32>
        %add3A_229 = arith.addf %mul3A_227, %mul3A_228 : vector<16xf32>
        %mul3A_230 = arith.mulf %get3A_226, %gather3A_181 : vector<16xf32>
        %add3A_231 = arith.addf %add3A_229, %mul3A_230 : vector<16xf32>
        %mul3A_232 = arith.constant -2.000000e+00 : f32
        %mul3A_233 = vector.broadcast %mul3A_232 : f32 to vector<16xf32>
        %mul3A_234 = arith.mulf %mul3A_233, %add3A_231 : vector<16xf32>
        %add3A_235 = arith.addf %mul3A_234, %gather3A_182 : vector<16xf32>
        %get3A_236 = arith.index_cast %mul3A_221 : i32 to index
        %get3A_237 = tpu.vector_load %arg11[%get3A_236] {strides = array<i32>} : memref<4096xf32, #tpu.memory_space<vmem>>, vector<16xf32>,
        %add3A_238 = arith.addf %add3A_235, %get3A_237 : vector<16xf32>
        %iota3A = tpu.iota {dimensions = array<i32: 0>} : vector<16xi32>
        %add3A_239 = vector.broadcast %mul3A_221 : i32 to vector<16xi32>
        %add3A_240 = arith.addi %iota3A, %add3A_239 : vector<16xi32>
        %masked_sort3A = arith.constant dense<true> : vector<16xi1>
        %masked_sort3A_241, %masked_sort3A_242, %masked_sort3A_243 = tpu.sort %add3A_238, %add3A_240 masked %masked_sort3A {descending = true} : (vector<16xf32>, vector<16xi32>, vector<16xi1>) -> (vector<16xi1>, vector<16xf32>, vector<16xi32>)
        %le3A = arith.cmpf ole, %scan3A_218, %masked_sort3A_242 : vector<16xf32>
        %select_n3A_244 = arith.select %le3A, %scan3A_218, %masked_sort3A_242 : vector<16xi1>, vector<16xf32>
        %select_n3A_245 = arith.select %le3A, %scan3A_219, %masked_sort3A_243 : vector<16xi1>, vector<16xi32>
        %masked_sort3A_246 = arith.constant dense<true> : vector<16xi1>
        %masked_sort3A_247, %masked_sort3A_248, %masked_sort3A_249 = tpu.sort %select_n3A_244, %select_n3A_245 masked %masked_sort3A_246 {descending = true} : (vector<16xf32>, vector<16xi32>, vector<16xi1>) -> (vector<16xi1>, vector<16xf32>, vector<16xi32>)
        %le3A_250 = arith.cmpf ole, %scan3A_216, %masked_sort3A_248 : vector<16xf32>
        %select_n3A_251 = arith.select %le3A_250, %scan3A_216, %masked_sort3A_248 : vector<16xi1>, vector<16xf32>
        %select_n3A_252 = arith.select %le3A_250, %scan3A_217, %masked_sort3A_249 : vector<16xi1>, vector<16xi32>
        %select_n3A_253 = arith.select %le3A_250, %masked_sort3A_248, %scan3A_216 : vector<16xi1>, vector<16xf32>
        %select_n3A_254 = arith.select %le3A_250, %masked_sort3A_249, %scan3A_217 : vector<16xi1>, vector<16xi32>
        %masked_sort3A_255 = arith.constant dense<true> : vector<16xi1>
        %masked_sort3A_256, %masked_sort3A_257, %masked_sort3A_258 = tpu.sort %select_n3A_251, %select_n3A_252 masked %masked_sort3A_255 : (vector<16xf32>, vector<16xi32>, vector<16xi1>) -> (vector<16xi1>, vector<16xf32>, vector<16xi32>)
        %masked_sort3A_259 = arith.constant dense<true> : vector<16xi1>
        %masked_sort3A_260, %masked_sort3A_261, %masked_sort3A_262 = tpu.sort %select_n3A_253, %select_n3A_254 masked %masked_sort3A_259 : (vector<16xf32>, vector<16xi32>, vector<16xi1>) -> (vector<16xi1>, vector<16xf32>, vector<16xi32>)
        scf.yield %masked_sort3A_257, %masked_sort3A_258, %masked_sort3A_261, %masked_sort3A_262 : vector<16xf32>, vector<16xi32>, vector<16xf32>, vector<16xi32>
      }
      %scan3A_196 = arith.constant 256 : i32
      %add3A_197 = vector.broadcast %mul3A_52 : i32 to vector<16xi32>
      %add3A_198 = arith.addi %scan3A_195#1, %add3A_197 : vector<16xi32>
      %swap3A_199 = arith.constant 96 : index
      %swap3A_200 = tpu.vector_load %arg12[%swap3A_199] {strides = array<i32>} : memref<128xi32, #tpu.memory_space<vmem>>, vector<16xi32>,
      tpu.vector_store %arg12[%swap3A_199], %add3A_198 {strides = array<i32>} : memref<128xi32, #tpu.memory_space<vmem>>, vector<16xi32>,
      %add3A_201 = vector.broadcast %mul3A_52 : i32 to vector<16xi32>
      %add3A_202 = arith.addi %scan3A_195#3, %add3A_201 : vector<16xi32>
      %swap3A_203 = arith.constant 112 : index
      %swap3A_204 = tpu.vector_load %arg12[%swap3A_203] {strides = array<i32>} : memref<128xi32, #tpu.memory_space<vmem>>, vector<16xi32>,
      tpu.vector_store %arg12[%swap3A_203], %add3A_202 {strides = array<i32>} : memref<128xi32, #tpu.memory_space<vmem>>, vector<16xi32>,
      %dma_start3A = arith.constant 0 : i32
      %dma_start3A_205 = arith.constant 0 : i32
      %dma_start3A_206 = tpu.memref_slice %arg3[%dma_start3A, %dma_start3A_205] : memref<16384x48xf32, #tpu.memory_space<hbm>> -> memref<16384x48xf32, #tpu.memory_space<hbm>>
      tpu.enqueue_indirect_dma source(%dma_start3A_206 : memref<16384x48xf32, #tpu.memory_space<hbm>>) target(%arg13 : memref<128x48xf32, #tpu.memory_space<vmem>>) offsets(%arg12 : memref<128xi32, #tpu.memory_space<vmem>>) semaphore(%arg14 : memref<!tpu.dma_semaphore, #tpu.memory_space<semaphore_mem>>)
      %dma_wait3A = arith.constant 0 : i32
      %dma_wait3A_207 = arith.constant 0 : i32
      %dma_wait3A_208 = tpu.memref_slice %arg3[%dma_wait3A, %dma_wait3A_207] : memref<16384x48xf32, #tpu.memory_space<hbm>> -> memref<16384x48xf32, #tpu.memory_space<hbm>>
      tpu.wait_indirect_dma semaphore(%arg14 : memref<!tpu.dma_semaphore, #tpu.memory_space<semaphore_mem>>) src(%dma_wait3A_208 : memref<16384x48xf32, #tpu.memory_space<hbm>>) dst(%arg13 : memref<128x48xf32, #tpu.memory_space<vmem>>)
      %mul3A_209 = arith.constant 4 : i32
      %mul3A_210 = arith.muli %scan3A_66, %mul3A_209 : i32
      %add3A_211 = arith.addi %mul3A_34, %mul3A_210 : i32
      %mul3A_212 = arith.constant 32 : i32
      %mul3A_213 = arith.muli %add3A_211, %mul3A_212 : i32
      "tpu.region"() ({
        %run_scoped3A = tpu.sem_alloc : memref<!tpu.dma_semaphore, #tpu.memory_space<semaphore_mem>>
        %dma_start3A_215 = arith.constant 0 : i32
        %dma_start3A_216 = tpu.memref_slice %arg4[%mul3A_213, %dma_start3A_215] : memref<524288x48xf32, #tpu.memory_space<hbm>> -> memref<128x48xf32, #tpu.memory_space<hbm>>
        %dma_start3A_217 = arith.constant 0 : i32
        %dma_start3A_218 = tpu.memref_slice %arg4[%mul3A_213, %dma_start3A_217] : memref<524288x48xf32, #tpu.memory_space<hbm>> -> memref<128x48xf32, #tpu.memory_space<hbm>>
        tpu.enqueue_dma source(%arg13 : memref<128x48xf32, #tpu.memory_space<vmem>>) target(%dma_start3A_218 : memref<128x48xf32, #tpu.memory_space<hbm>>) target_semaphore(%run_scoped3A : memref<!tpu.dma_semaphore, #tpu.memory_space<semaphore_mem>>)
        %dma_wait3A_219 = arith.constant 0 : i32
        %dma_wait3A_220 = tpu.memref_slice %arg4[%mul3A_213, %dma_wait3A_219] : memref<524288x48xf32, #tpu.memory_space<hbm>> -> memref<128x48xf32, #tpu.memory_space<hbm>>
        %dma_wait3A_221 = arith.constant 0 : i32
        %dma_wait3A_222 = tpu.memref_slice %arg4[%mul3A_213, %dma_wait3A_221] : memref<524288x48xf32, #tpu.memory_space<hbm>> -> memref<128x48xf32, #tpu.memory_space<hbm>>
        tpu.wait_dma2 semaphore(%run_scoped3A : memref<!tpu.dma_semaphore, #tpu.memory_space<semaphore_mem>>) src(%arg13 : memref<128x48xf32, #tpu.memory_space<vmem>>) dst(%dma_wait3A_222 : memref<128x48xf32, #tpu.memory_space<hbm>>)
        tpu.yield
      }) : () -> ()
      %scan3A_214 = arith.constant 0 : i32
      scf.yield %scan3A_214 : i32
    }
    %scan3A_65 = arith.constant 128 : i32
    return
  }
}

module attributes {stable_mosaic.version = 14 : i64} {
  func.func @_k1_body(%arg0: i32, %arg1: i32, %arg2: memref<1x67x1024xf32, #tpu.memory_space<vmem>>, %arg3: memref<1x3x1024xf32, #tpu.memory_space<vmem>>, %arg4: memref<67x32xf32, #tpu.memory_space<vmem>>, %arg5: memref<67x32xf32, #tpu.memory_space<vmem>>, %arg6: memref<1x32xf32, #tpu.memory_space<vmem>>, %arg7: memref<1x1024x48xf32, #tpu.memory_space<vmem>>, %arg8: memref<1x1024x32xf32, #tpu.memory_space<vmem>>) attributes {dimension_semantics = [#tpu.dimension_semantics<arbitrary>, #tpu.dimension_semantics<arbitrary>], iteration_bounds = array<i64: 4, 4>, scalar_prefetch = 0 : i64, scratch_operands = 0 : i64, tpu.core_type = #tpu.core_type<tc>, window_params = [{transform_indices = @transform_0, window_bounds = array<i64: 1, 67, 1024>}, {transform_indices = @transform_1, window_bounds = array<i64: 1, 3, 1024>}, {pipeline_mode = #tpu.pipeline_mode<synchronous>, transform_indices = @transform_2, window_bounds = array<i64: 67, 32>}, {pipeline_mode = #tpu.pipeline_mode<synchronous>, transform_indices = @transform_3, window_bounds = array<i64: 67, 32>}, {pipeline_mode = #tpu.pipeline_mode<synchronous>, transform_indices = @transform_4, window_bounds = array<i64: 1, 32>}, {transform_indices = @transform_5, window_bounds = array<i64: 1, 1024, 48>}, {transform_indices = @transform_6, window_bounds = array<i64: 1, 1024, 32>}]} {
    %get3A = arith.constant 0 : index
    %get3A_0 = arith.constant 0 : index
    %get3A_1 = arith.constant 0 : index
    %get3A_2 = vector.load %arg2[%get3A, %get3A_0, %get3A_1] : memref<1x67x1024xf32, #tpu.memory_space<vmem>>, vector<1x67x1024xf32>
    %get3A_3 = vector.shape_cast %get3A_2 : vector<1x67x1024xf32> to vector<67x1024xf32>
    %get3A_4 = arith.constant 0 : index
    %get3A_5 = arith.constant 0 : index
    %get3A_6 = vector.load %arg4[%get3A_4, %get3A_5] : memref<67x32xf32, #tpu.memory_space<vmem>>, vector<67x32xf32>
    %dot_general3A = arith.constant dense<0.000000e+00> : vector<1024x32xf32>
    %dot_general3A_7 = tpu.matmul %get3A_3, %get3A_6, %dot_general3A {dimension_numbers = #tpu.dot_dimension_numbers<[0], [0], [1], [1], [0, 1, 1, 1], [], []>, transpose_lhs_hint = false} : vector<67x1024xf32>, vector<67x32xf32>, vector<1024x32xf32> -> vector<1024x32xf32>
    %get3A_8 = arith.constant 0 : index
    %get3A_9 = arith.constant 0 : index
    %get3A_10 = vector.load %arg5[%get3A_8, %get3A_9] : memref<67x32xf32, #tpu.memory_space<vmem>>, vector<67x32xf32>
    %dot_general3A_11 = arith.constant dense<0.000000e+00> : vector<1024x32xf32>
    %dot_general3A_12 = tpu.matmul %get3A_3, %get3A_10, %dot_general3A_11 {dimension_numbers = #tpu.dot_dimension_numbers<[0], [0], [1], [1], [0, 1, 1, 1], [], []>, transpose_lhs_hint = false} : vector<67x1024xf32>, vector<67x32xf32>, vector<1024x32xf32> -> vector<1024x32xf32>
    %get3A_13 = arith.constant 0 : index
    %get3A_14 = arith.constant 0 : index
    %get3A_15 = vector.load %arg6[%get3A_13, %get3A_14] : memref<1x32xf32, #tpu.memory_space<vmem>>, vector<1x32xf32>
    %add3A = vector.broadcast %get3A_15 : vector<1x32xf32> to vector<1024x32xf32>
    %add3A_16 = arith.addf %dot_general3A_12, %add3A : vector<1024x32xf32>
    %swap3A = arith.constant 0 : index
    %swap3A_17 = arith.constant 0 : index
    %swap3A_18 = arith.constant 0 : index
    %swap3A_19 = vector.load %arg7[%swap3A, %swap3A_17, %swap3A_18] : memref<1x1024x48xf32, #tpu.memory_space<vmem>>, vector<1x1024x32xf32>
    %swap3A_20 = vector.shape_cast %swap3A_19 : vector<1x1024x32xf32> to vector<1024x32xf32>
    %swap3A_21 = vector.shape_cast %dot_general3A_7 : vector<1024x32xf32> to vector<1x1024x32xf32>
    tpu.vector_store %arg7[%swap3A, %swap3A_17, %swap3A_18], %swap3A_21 {strides = array<i32>} : memref<1x1024x48xf32, #tpu.memory_space<vmem>>, vector<1x1024x32xf32>,
    %get3A_22 = arith.constant 0 : index
    %get3A_23 = arith.constant 0 : index
    %get3A_24 = arith.constant 0 : index
    %get3A_25 = vector.load %arg3[%get3A_22, %get3A_23, %get3A_24] : memref<1x3x1024xf32, #tpu.memory_space<vmem>>, vector<1x3x1024xf32>
    %get3A_26 = vector.shape_cast %get3A_25 : vector<1x3x1024xf32> to vector<3x1024xf32>
    %transpose3A = tpu.transpose %get3A_26, [1, 0] : vector<3x1024xf32> -> vector<1024x3xf32>
    %swap3A_27 = arith.constant 0 : index
    %swap3A_28 = arith.constant 0 : index
    %swap3A_29 = arith.constant 32 : index
    %swap3A_30 = vector.load %arg7[%swap3A_27, %swap3A_28, %swap3A_29] : memref<1x1024x48xf32, #tpu.memory_space<vmem>>, vector<1x1024x3xf32>
    %swap3A_31 = vector.shape_cast %swap3A_30 : vector<1x1024x3xf32> to vector<1024x3xf32>
    %swap3A_32 = vector.shape_cast %transpose3A : vector<1024x3xf32> to vector<1x1024x3xf32>
    tpu.vector_store %arg7[%swap3A_27, %swap3A_28, %swap3A_29], %swap3A_32 {strides = array<i32>} : memref<1x1024x48xf32, #tpu.memory_space<vmem>>, vector<1x1024x3xf32>,
    %broadcast_in_dim3A = arith.constant 0.000000e+00 : f32
    %broadcast_in_dim3A_33 = vector.broadcast %broadcast_in_dim3A : f32 to vector<1024x13xf32>
    %swap3A_34 = arith.constant 0 : index
    %swap3A_35 = arith.constant 0 : index
    %swap3A_36 = arith.constant 35 : index
    %swap3A_37 = vector.load %arg7[%swap3A_34, %swap3A_35, %swap3A_36] : memref<1x1024x48xf32, #tpu.memory_space<vmem>>, vector<1x1024x13xf32>
    %swap3A_38 = vector.shape_cast %swap3A_37 : vector<1x1024x13xf32> to vector<1024x13xf32>
    %swap3A_39 = vector.shape_cast %broadcast_in_dim3A_33 : vector<1024x13xf32> to vector<1x1024x13xf32>
    tpu.vector_store %arg7[%swap3A_34, %swap3A_35, %swap3A_36], %swap3A_39 {strides = array<i32>} : memref<1x1024x48xf32, #tpu.memory_space<vmem>>, vector<1x1024x13xf32>,
    %swap3A_40 = arith.constant 0 : index
    %swap3A_41 = arith.constant 0 : index
    %swap3A_42 = arith.constant 0 : index
    %swap3A_43 = vector.load %arg8[%swap3A_40, %swap3A_41, %swap3A_42] : memref<1x1024x32xf32, #tpu.memory_space<vmem>>, vector<1x1024x32xf32>
    %swap3A_44 = vector.shape_cast %swap3A_43 : vector<1x1024x32xf32> to vector<1024x32xf32>
    %swap3A_45 = vector.shape_cast %add3A_16 : vector<1024x32xf32> to vector<1x1024x32xf32>
    tpu.vector_store %arg8[%swap3A_40, %swap3A_41, %swap3A_42], %swap3A_45 {strides = array<i32>} : memref<1x1024x32xf32, #tpu.memory_space<vmem>>, vector<1x1024x32xf32>,
    return
  }
  func.func @transform_0(%arg0: i32, %arg1: i32) -> (i32, i32, i32) {
    %c0_i32 = arith.constant 0 : i32
    %c0_i32_0 = arith.constant 0 : i32
    return %arg0, %c0_i32, %arg1 : i32, i32, i32
  }
  func.func @transform_1(%arg0: i32, %arg1: i32) -> (i32, i32, i32) {
    %c0_i32 = arith.constant 0 : i32
    %c0_i32_0 = arith.constant 0 : i32
    return %arg0, %c0_i32, %arg1 : i32, i32, i32
  }
  func.func @transform_2(%arg0: i32, %arg1: i32) -> (i32, i32) {
    %c0_i32 = arith.constant 0 : i32
    %c0_i32_0 = arith.constant 0 : i32
    %c0_i32_1 = arith.constant 0 : i32
    return %c0_i32, %c0_i32_0 : i32, i32
  }
  func.func @transform_3(%arg0: i32, %arg1: i32) -> (i32, i32) {
    %c0_i32 = arith.constant 0 : i32
    %c0_i32_0 = arith.constant 0 : i32
    %c0_i32_1 = arith.constant 0 : i32
    return %c0_i32, %c0_i32_0 : i32, i32
  }
  func.func @transform_4(%arg0: i32, %arg1: i32) -> (i32, i32) {
    %c0_i32 = arith.constant 0 : i32
    %c0_i32_0 = arith.constant 0 : i32
    %c0_i32_1 = arith.constant 0 : i32
    return %c0_i32, %c0_i32_0 : i32, i32
  }
  func.func @transform_5(%arg0: i32, %arg1: i32) -> (i32, i32, i32) {
    %c0_i32 = arith.constant 0 : i32
    %c0_i32_0 = arith.constant 0 : i32
    return %arg0, %arg1, %c0_i32 : i32, i32, i32
  }
  func.func @transform_6(%arg0: i32, %arg1: i32) -> (i32, i32, i32) {
    %c0_i32 = arith.constant 0 : i32
    %c0_i32_0 = arith.constant 0 : i32
    return %arg0, %arg1, %c0_i32 : i32, i32, i32
  }
}

module attributes {stable_mosaic.version = 14 : i64} {
  func.func @_k3a_body(%arg0: i32, %arg1: memref<512x32x48xf32, #tpu.memory_space<vmem>>, %arg2: memref<512x32xf32, #tpu.memory_space<vmem>>, %arg3: memref<2x32xf32, #tpu.memory_space<vmem>>) attributes {dimension_semantics = [#tpu.dimension_semantics<arbitrary>], iteration_bounds = array<i64: 32>, scalar_prefetch = 0 : i64, scratch_operands = 0 : i64, tpu.core_type = #tpu.core_type<tc>, window_params = [{transform_indices = @transform_0, window_bounds = array<i64: 512, 32, 48>}, {transform_indices = @transform_1, window_bounds = array<i64: 512, 32>}, {pipeline_mode = #tpu.pipeline_mode<synchronous>, transform_indices = @transform_2, window_bounds = array<i64: 2, 32>}]} {
    %eq3A = arith.constant 0 : i32
    %eq3A_0 = arith.cmpi eq, %arg0, %eq3A : i32
    %convert_element_type3A = arith.extui %eq3A_0 : i1 to i32
    %cond3A = arith.constant 0 : i32
    %cond3A_1 = arith.cmpi ne, %convert_element_type3A, %cond3A : i32
    scf.if %cond3A_1 {
      %broadcast_in_dim3A_26 = arith.constant 0.000000e+00 : f32
      %broadcast_in_dim3A_27 = vector.broadcast %broadcast_in_dim3A_26 : f32 to vector<2x32xf32>
      %swap3A_28 = arith.constant 0 : index
      %swap3A_29 = arith.constant 0 : index
      %swap3A_30 = vector.load %arg3[%swap3A_28, %swap3A_29] : memref<2x32xf32, #tpu.memory_space<vmem>>, vector<2x32xf32>
      tpu.vector_store %arg3[%swap3A_28, %swap3A_29], %broadcast_in_dim3A_27 {strides = array<i32>} : memref<2x32xf32, #tpu.memory_space<vmem>>, vector<2x32xf32>,
    } else {
    }
    %get3A = arith.constant 0 : index
    %get3A_2 = arith.constant 0 : index
    %get3A_3 = arith.constant 0 : index
    %get3A_4 = vector.load %arg1[%get3A, %get3A_2, %get3A_3] : memref<512x32x48xf32, #tpu.memory_space<vmem>>, vector<512x32x32xf32>
    %get3A_5 = arith.constant 0 : index
    %get3A_6 = arith.constant 0 : index
    %get3A_7 = vector.load %arg2[%get3A_5, %get3A_6] : memref<512x32xf32, #tpu.memory_space<vmem>>, vector<512x32xf32>
    %broadcast_in_dim3A = vector.shape_cast %get3A_7 : vector<512x32xf32> to vector<512x1x32xf32>
    %add3A = vector.broadcast %broadcast_in_dim3A : vector<512x1x32xf32> to vector<512x32x32xf32>
    %add3A_8 = arith.addf %get3A_4, %add3A : vector<512x32x32xf32>
    %get3A_9 = arith.constant 0 : index
    %get3A_10 = arith.constant 0 : index
    %get3A_11 = vector.load %arg3[%get3A_9, %get3A_10] : memref<2x32xf32, #tpu.memory_space<vmem>>, vector<1x32xf32>
    %reduce_sum3A = arith.constant dense<0.000000e+00> : vector<32xf32>
    %reduce_sum3A_12 = vector.multi_reduction <add>, %add3A_8, %reduce_sum3A [0, 1] : vector<512x32x32xf32> to vector<32xf32>
    %reshape3A = vector.shape_cast %reduce_sum3A_12 : vector<32xf32> to vector<1x32xf32>
    %add3A_13 = arith.addf %get3A_11, %reshape3A : vector<1x32xf32>
    %swap3A = arith.constant 0 : index
    %swap3A_14 = arith.constant 0 : index
    %swap3A_15 = vector.load %arg3[%swap3A, %swap3A_14] : memref<2x32xf32, #tpu.memory_space<vmem>>, vector<1x32xf32>
    tpu.vector_store %arg3[%swap3A, %swap3A_14], %add3A_13 {strides = array<i32>} : memref<2x32xf32, #tpu.memory_space<vmem>>, vector<1x32xf32>,
    %get3A_16 = arith.constant 1 : index
    %get3A_17 = arith.constant 0 : index
    %get3A_18 = vector.load %arg3[%get3A_16, %get3A_17] : memref<2x32xf32, #tpu.memory_space<vmem>>, vector<1x32xf32>
    %mul3A = arith.mulf %add3A_8, %add3A_8 : vector<512x32x32xf32>
    %reduce_sum3A_19 = arith.constant dense<0.000000e+00> : vector<32xf32>
    %reduce_sum3A_20 = vector.multi_reduction <add>, %mul3A, %reduce_sum3A_19 [0, 1] : vector<512x32x32xf32> to vector<32xf32>
    %reshape3A_21 = vector.shape_cast %reduce_sum3A_20 : vector<32xf32> to vector<1x32xf32>
    %add3A_22 = arith.addf %get3A_18, %reshape3A_21 : vector<1x32xf32>
    %swap3A_23 = arith.constant 1 : index
    %swap3A_24 = arith.constant 0 : index
    %swap3A_25 = vector.load %arg3[%swap3A_23, %swap3A_24] : memref<2x32xf32, #tpu.memory_space<vmem>>, vector<1x32xf32>
    tpu.vector_store %arg3[%swap3A_23, %swap3A_24], %add3A_22 {strides = array<i32>} : memref<2x32xf32, #tpu.memory_space<vmem>>, vector<1x32xf32>,
    return
  }
  func.func @transform_0(%arg0: i32) -> (i32, i32, i32) {
    %c0_i32 = arith.constant 0 : i32
    %c0_i32_0 = arith.constant 0 : i32
    %c0_i32_1 = arith.constant 0 : i32
    return %arg0, %c0_i32, %c0_i32_0 : i32, i32, i32
  }
  func.func @transform_1(%arg0: i32) -> (i32, i32) {
    %c0_i32 = arith.constant 0 : i32
    %c0_i32_0 = arith.constant 0 : i32
    return %arg0, %c0_i32 : i32, i32
  }
  func.func @transform_2(%arg0: i32) -> (i32, i32) {
    %c0_i32 = arith.constant 0 : i32
    %c0_i32_0 = arith.constant 0 : i32
    %c0_i32_1 = arith.constant 0 : i32
    return %c0_i32, %c0_i32_0 : i32, i32
  }
}

module attributes {stable_mosaic.version = 14 : i64} {
  func.func @_k3b_body(%arg0: i32, %arg1: memref<512x32x48xf32, #tpu.memory_space<vmem>>, %arg2: memref<512x32xf32, #tpu.memory_space<vmem>>, %arg3: memref<512x3xf32, #tpu.memory_space<vmem>>, %arg4: memref<3x32xf32, #tpu.memory_space<vmem>>, %arg5: memref<1x1xf32, #tpu.memory_space<vmem>>, %arg6: memref<2x32xf32, #tpu.memory_space<vmem>>, %arg7: memref<512x3xf32, #tpu.memory_space<vmem>>) attributes {dimension_semantics = [#tpu.dimension_semantics<arbitrary>], iteration_bounds = array<i64: 32>, scalar_prefetch = 0 : i64, scratch_operands = 0 : i64, tpu.core_type = #tpu.core_type<tc>, window_params = [{transform_indices = @transform_0, window_bounds = array<i64: 512, 32, 48>}, {transform_indices = @transform_1, window_bounds = array<i64: 512, 32>}, {transform_indices = @transform_2, window_bounds = array<i64: 512, 3>}, {pipeline_mode = #tpu.pipeline_mode<synchronous>, transform_indices = @transform_3, window_bounds = array<i64: 3, 32>}, {pipeline_mode = #tpu.pipeline_mode<synchronous>, transform_indices = @transform_4, window_bounds = array<i64: 1, 1>}, {pipeline_mode = #tpu.pipeline_mode<synchronous>, transform_indices = @transform_5, window_bounds = array<i64: 2, 32>}, {transform_indices = @transform_6, window_bounds = array<i64: 512, 3>}]} {
    %get3A = arith.constant 0 : index
    %get3A_0 = arith.constant 0 : index
    %get3A_1 = arith.constant 0 : index
    %get3A_2 = vector.load %arg1[%get3A, %get3A_0, %get3A_1] : memref<512x32x48xf32, #tpu.memory_space<vmem>>, vector<512x32x32xf32>
    %get3A_3 = arith.constant 0 : index
    %get3A_4 = arith.constant 0 : index
    %get3A_5 = vector.load %arg2[%get3A_3, %get3A_4] : memref<512x32xf32, #tpu.memory_space<vmem>>, vector<512x32xf32>
    %broadcast_in_dim3A = vector.shape_cast %get3A_5 : vector<512x32xf32> to vector<512x1x32xf32>
    %add3A = vector.broadcast %broadcast_in_dim3A : vector<512x1x32xf32> to vector<512x32x32xf32>
    %add3A_6 = arith.addf %get3A_2, %add3A : vector<512x32x32xf32>
    %get3A_7 = arith.constant 0 : index
    %get3A_8 = arith.constant 0 : index
    %get3A_9 = vector.load %arg6[%get3A_7, %get3A_8] : memref<2x32xf32, #tpu.memory_space<vmem>>, vector<1x32xf32>
    %reshape3A = vector.shape_cast %get3A_9 : vector<1x32xf32> to vector<1x1x32xf32>
    %mul3A = arith.constant 1.90734863E-6 : f32
    %mul3A_10 = vector.broadcast %mul3A : f32 to vector<1x1x32xf32>
    %mul3A_11 = arith.mulf %reshape3A, %mul3A_10 : vector<1x1x32xf32>
    %get3A_12 = arith.constant 1 : index
    %get3A_13 = arith.constant 0 : index
    %get3A_14 = vector.load %arg6[%get3A_12, %get3A_13] : memref<2x32xf32, #tpu.memory_space<vmem>>, vector<1x32xf32>
    %reshape3A_15 = vector.shape_cast %get3A_14 : vector<1x32xf32> to vector<1x1x32xf32>
    %mul3A_16 = arith.constant 1.90734863E-6 : f32
    %mul3A_17 = vector.broadcast %mul3A_16 : f32 to vector<1x1x32xf32>
    %mul3A_18 = arith.mulf %reshape3A_15, %mul3A_17 : vector<1x1x32xf32>
    %mul3A_19 = arith.mulf %mul3A_11, %mul3A_11 : vector<1x1x32xf32>
    %sub3A = arith.subf %mul3A_18, %mul3A_19 : vector<1x1x32xf32>
    %get3A_20 = arith.constant 1 : index
    %get3A_21 = arith.constant 0 : index
    %get3A_22 = vector.load %arg4[%get3A_20, %get3A_21] : memref<3x32xf32, #tpu.memory_space<vmem>>, vector<1x32xf32>
    %reshape3A_23 = vector.shape_cast %get3A_22 : vector<1x32xf32> to vector<1x1x32xf32>
    %get3A_24 = arith.constant 2 : index
    %get3A_25 = arith.constant 0 : index
    %get3A_26 = vector.load %arg4[%get3A_24, %get3A_25] : memref<3x32xf32, #tpu.memory_space<vmem>>, vector<1x32xf32>
    %reshape3A_27 = vector.shape_cast %get3A_26 : vector<1x32xf32> to vector<1x1x32xf32>
    %get3A_28 = arith.constant 0 : index
    %get3A_29 = arith.constant 0 : index
    %get3A_30 = vector.load %arg4[%get3A_28, %get3A_29] : memref<3x32xf32, #tpu.memory_space<vmem>>, vector<1x32xf32>
    %reshape3A_31 = vector.shape_cast %get3A_30 : vector<1x32xf32> to vector<1x1x32xf32>
    %add3A_32 = arith.constant 9.99999974E-6 : f32
    %add3A_33 = vector.broadcast %add3A_32 : f32 to vector<1x1x32xf32>
    %add3A_34 = arith.addf %sub3A, %add3A_33 : vector<1x1x32xf32>
    %rsqrt3A = math.rsqrt %add3A_34 : vector<1x1x32xf32>
    %mul3A_35 = arith.mulf %reshape3A_23, %rsqrt3A : vector<1x1x32xf32>
    %sub3A_36 = vector.broadcast %mul3A_11 : vector<1x1x32xf32> to vector<512x32x32xf32>
    %sub3A_37 = arith.subf %add3A_6, %sub3A_36 : vector<512x32x32xf32>
    %mul3A_38 = vector.broadcast %mul3A_35 : vector<1x1x32xf32> to vector<512x32x32xf32>
    %mul3A_39 = arith.mulf %sub3A_37, %mul3A_38 : vector<512x32x32xf32>
    %add3A_40 = vector.broadcast %reshape3A_27 : vector<1x1x32xf32> to vector<512x32x32xf32>
    %add3A_41 = arith.addf %mul3A_39, %add3A_40 : vector<512x32x32xf32>
    %ge3A = arith.constant 0.000000e+00 : f32
    %ge3A_42 = vector.broadcast %ge3A : f32 to vector<512x32x32xf32>
    %ge3A_43 = arith.cmpf oge, %add3A_41, %ge3A_42 : vector<512x32x32xf32>
    %mul3A_44 = arith.constant 1.000000e-01 : f32
    %mul3A_45 = vector.broadcast %mul3A_44 : f32 to vector<512x32x32xf32>
    %mul3A_46 = arith.mulf %mul3A_45, %add3A_41 : vector<512x32x32xf32>
    %select_n3A = arith.select %ge3A_43, %add3A_41, %mul3A_46 : vector<512x32x32xi1>, vector<512x32x32xf32>
    %mul3A_47 = vector.broadcast %reshape3A_31 : vector<1x1x32xf32> to vector<512x32x32xf32>
    %mul3A_48 = arith.mulf %select_n3A, %mul3A_47 : vector<512x32x32xf32>
    %reduce_sum3A = arith.constant dense<0.000000e+00> : vector<512x32xf32>
    %reduce_sum3A_49 = vector.multi_reduction <add>, %mul3A_48, %reduce_sum3A [2] : vector<512x32x32xf32> to vector<512x32xf32>
    %get3A_50 = arith.constant 0 : index
    %get3A_51 = arith.constant 0 : index
    %get3A_52 = vector.load %arg5[%get3A_50, %get3A_51] : memref<1x1xf32, #tpu.memory_space<vmem>>, vector<1x1xf32>
    %get3A_53 = vector.extract %get3A_52[0, 0] : f32 from vector<1x1xf32>
    %add3A_54 = vector.broadcast %get3A_53 : f32 to vector<512x32xf32>
    %add3A_55 = arith.addf %reduce_sum3A_49, %add3A_54 : vector<512x32xf32>
    %reduce_max3A = arith.constant dense<0xFF800000> : vector<512xf32>
    %reduce_max3A_56 = vector.multi_reduction <maximumf>, %add3A_55, %reduce_max3A [1] : vector<512x32xf32> to vector<512xf32>
    %broadcast_in_dim3A_57 = vector.shape_cast %reduce_max3A_56 : vector<512xf32> to vector<512x1xf32>
    %sub3A_58 = vector.broadcast %broadcast_in_dim3A_57 : vector<512x1xf32> to vector<512x32xf32>
    %sub3A_59 = arith.subf %add3A_55, %sub3A_58 : vector<512x32xf32>
    %exp3A = math.exp %sub3A_59 : vector<512x32xf32>
    %reduce_sum3A_60 = arith.constant dense<0.000000e+00> : vector<512xf32>
    %reduce_sum3A_61 = vector.multi_reduction <add>, %exp3A, %reduce_sum3A_60 [1] : vector<512x32xf32> to vector<512xf32>
    %broadcast_in_dim3A_62 = vector.shape_cast %reduce_sum3A_61 : vector<512xf32> to vector<512x1xf32>
    %div3A = vector.broadcast %broadcast_in_dim3A_62 : vector<512x1xf32> to vector<512x32xf32>
    %div3A_63 = arith.divf %exp3A, %div3A : vector<512x32xf32>
    %get3A_64 = arith.constant 0 : index
    %get3A_65 = arith.constant 0 : index
    %get3A_66 = arith.constant 32 : index
    %get3A_67 = vector.load %arg1[%get3A_64, %get3A_65, %get3A_66] : memref<512x32x48xf32, #tpu.memory_space<vmem>>, vector<512x32x3xf32>
    %get3A_68 = arith.constant 0 : index
    %get3A_69 = arith.constant 0 : index
    %get3A_70 = vector.load %arg3[%get3A_68, %get3A_69] : memref<512x3xf32, #tpu.memory_space<vmem>>, vector<512x3xf32>
    %broadcast_in_dim3A_71 = vector.shape_cast %div3A_63 : vector<512x32xf32> to vector<512x32x1xf32>
    %mul3A_72 = vector.broadcast %broadcast_in_dim3A_71 : vector<512x32x1xf32> to vector<512x32x3xf32>
    %mul3A_73 = arith.mulf %mul3A_72, %get3A_67 : vector<512x32x3xf32>
    %reduce_sum3A_74 = arith.constant dense<0.000000e+00> : vector<512x3xf32>
    %reduce_sum3A_75 = vector.multi_reduction <add>, %mul3A_73, %reduce_sum3A_74 [1] : vector<512x32x3xf32> to vector<512x3xf32>
    %add3A_76 = arith.addf %get3A_70, %reduce_sum3A_75 : vector<512x3xf32>
    %swap3A = arith.constant 0 : index
    %swap3A_77 = arith.constant 0 : index
    %swap3A_78 = vector.load %arg7[%swap3A, %swap3A_77] : memref<512x3xf32, #tpu.memory_space<vmem>>, vector<512x3xf32>
    tpu.vector_store %arg7[%swap3A, %swap3A_77], %add3A_76 {strides = array<i32>} : memref<512x3xf32, #tpu.memory_space<vmem>>, vector<512x3xf32>,
    return
  }
  func.func @transform_0(%arg0: i32) -> (i32, i32, i32) {
    %c0_i32 = arith.constant 0 : i32
    %c0_i32_0 = arith.constant 0 : i32
    %c0_i32_1 = arith.constant 0 : i32
    return %arg0, %c0_i32, %c0_i32_0 : i32, i32, i32
  }
  func.func @transform_1(%arg0: i32) -> (i32, i32) {
    %c0_i32 = arith.constant 0 : i32
    %c0_i32_0 = arith.constant 0 : i32
    return %arg0, %c0_i32 : i32, i32
  }
  func.func @transform_2(%arg0: i32) -> (i32, i32) {
    %c0_i32 = arith.constant 0 : i32
    %c0_i32_0 = arith.constant 0 : i32
    return %arg0, %c0_i32 : i32, i32
  }
  func.func @transform_3(%arg0: i32) -> (i32, i32) {
    %c0_i32 = arith.constant 0 : i32
    %c0_i32_0 = arith.constant 0 : i32
    %c0_i32_1 = arith.constant 0 : i32
    return %c0_i32, %c0_i32_0 : i32, i32
  }
  func.func @transform_4(%arg0: i32) -> (i32, i32) {
    %c0_i32 = arith.constant 0 : i32
    %c0_i32_0 = arith.constant 0 : i32
    %c0_i32_1 = arith.constant 0 : i32
    return %c0_i32, %c0_i32_0 : i32, i32
  }
  func.func @transform_5(%arg0: i32) -> (i32, i32) {
    %c0_i32 = arith.constant 0 : i32
    %c0_i32_0 = arith.constant 0 : i32
    %c0_i32_1 = arith.constant 0 : i32
    return %c0_i32, %c0_i32_0 : i32, i32
  }
  func.func @transform_6(%arg0: i32) -> (i32, i32) {
    %c0_i32 = arith.constant 0 : i32
    %c0_i32_0 = arith.constant 0 : i32
    return %arg0, %c0_i32 : i32, i32
  }
}

</mosaic_0001>

<sc_bundles>
// kernel: kernel.6.cloned.1.call-start
scs
__scs_entry_jumppad:
0x0: {  	(pc) =	sbr.rel $0x88, $3  }
0x1: {  	(tag) =	ssettag $0x0;
	lr =	simm.s32 $0x1  }
0x2: {  	[smem:$0x3F98] =	sst lr;
	_ =	strace $0xD0000000  }
0x3: {  	_ = 	snop  }
0x4: {  	_ = 	snop  }
0x5: {  	_ = 	snop  }
0x6: {  	_ = 	snop  }
0x7: {  	_ = 	snop  }
__scs_overlays_trampoline_lowered:
0x8: {  	[smem:$0x3FA7] =	sst s0  }
0x9: {  	[smem:$0x3FA8] =	sst s1  }
0xa: {  	[smem:$0x3FA9] =	sst s2  }
0xb: {  	[smem:$0x3FAA] =	sst s3  }
0xc: {  	[smem:$0x3FAB] =	sst s4  }
0xd: {  	[smem:$0x3FAC] =	sst s5  }
0xe: {  	[smem:$0x3FAD] =	sst s6  }
0xf: {  	[smem:$0x3FAE] =	sst s7  }
0x10: {  	[smem:$0x3FAF] =	sst s8  }
0x11: {  	[smem:$0x3FB0] =	sst s9;
	s0 =	simm.s32 @!p0 $0x0  }
0x12: {  	s1 =	sld [smem:$0x3F96];
	s0 =	simm.s32 @p0 $0x1  }
0x13: {  	[smem:$0x3FB1] =	sst s0;
	s0 =	simm.s32 @!p1 $0x0  }
0x14: {  	s2 =	sld [smem:$0x3F95];
	s0 =	simm.s32 @p1 $0x1  }
0x15: {  	[smem:$0x3FB2] =	sst s0;
	s0 =	simm.s32 @!p2 $0x0  }
0x16: {  	s3 =	sld [smem:$0x3FDB];
	s0 =	simm.s32 @p2 $0x1  }
0x17: {  	s4 =	simm.s32 $0x1BF5;
	[smem:$0x3FB4] =	sst s0  }
0x18: {  	s0 =	sld [smem:$0x3F97];
	_ =	swait.ge [sflag:s4], $0x0  }
0x19: {  	s7 =	sld [smem:$0x3F98]  }
0x1a: {  	s8 =	sadd.s32 $0xFFFFE003, lr  }
0x1b: {  	s9 =	sadd.s32 $0xFFFFFEF7, lr;
	s5 =	simm.s32 $0xFFFFFFFF;
	p2 =	slt.u32 s8, $0xFFFFF086  }
0x1c: {  	p1 =	slt.u32 s9, $0xF7A;
	s5 =	simm.s32 @!p2 $0x0  }
0x1d: {  	s5 =	simm.s32 @p1 $0x1;
	p0 =	seq.s32 s7, s2  }
0x1e: {  	s7 =	smul.u32 @!p0 $0xF7A, s2;
	p2 =	seq.s32 @!p0 s5, $0x0  }
0x1f: {  	s9 =	smul.u32 $0xF7A, s1;
	s8 =	simm.s32 @!p0 $0x1BF5;
	p2 =	por !p2, p0  }
0x20: {  	[sflag:s8] =	ssyncset.s32 @!p0 $0xFFFFF086;
	s6 =	sadd.s32 @!p0 s3, s7;
	s7 =	simm.s32 @!p0 $0x108  }
0x21: {  	s3 =	sadd.s32 s3, s9;
	s6 =	sadd.s32 @!p0 $0x88, s6;
	s7 =	simm.s32 @p2 $0x1082  }
0x22: {  	[simem:s7], [sflag:s8] =	dma.local @!p0 [hbm:s6], $0xF7A  }
0x23: {  	s9 =	sor.u32 $0xD0000000, s2;
	s6 =	simm.s32 $0x108;
	_ =	swait.ge @!p0 [sflag:s8], $0x0  }
0x24: {  	s3 =	sadd.s32 $0x88, s3;
	s6 =	simm.s32 @!p1 $0x1082;
	[sflag:s4] =	ssyncset.s32 $0xFFFFF086  }
0x25: {  	[simem:s6], [sflag:s4] =	dma.local [hbm:s3], $0xF7A  }
0x26: {  	[smem:$0x3F98] =	sst s1;
	(tag) =	ssettag s2;
	_ =	strace s9  }
0x27: {  	s1 =	sld [smem:$0x3FA8]  }
0x28: {  	s2 =	sld [smem:$0x3FA9]  }
0x29: {  	s4 =	sld [smem:$0x3FAB]  }
0x2a: {  	p0 =	seq.s32 s5, $0x0;
	s5 =	sld [smem:$0x3FAC]  }
0x2b: {  	s6 =	sld [smem:$0x3FAD]  }
0x2c: {  	s7 =	sld [smem:$0x3FAE]  }
0x2d: {  	s3 =	simm.s32 $0x108;
	s8 =	sld [smem:$0x3FAF]  }
0x2e: {  	s3 =	simm.s32 @!p0 $0x1082;
	s9 =	sld [smem:$0x3FB0]  }
0x2f: {  	lr =	sadd.s32 s0, s3;
	s0 =	sld [smem:$0x3FA7]  }
0x30: {  	s3 =	sld [smem:$0x3FAA]  }
0x31: {  	[smem:$0x3FB3] =	sst s10  }
0x32: {  	s10 =	sld [smem:$0x3FB1];
	_ =	sdelay $0x3  }
0x33: {  	p0 =	seq.s32 s10, $0x1;
	s10 =	sld [smem:$0x3FB3];
	_ =	sdelay $0x3  }
0x34: {  	[smem:$0x3FB3] =	sst s10  }
0x35: {  	s10 =	sld [smem:$0x3FB2];
	_ =	sdelay $0x3  }
0x36: {  	p1 =	seq.s32 s10, $0x1;
	s10 =	sld [smem:$0x3FB3];
	_ =	sdelay $0x3  }
0x37: {  	[smem:$0x3FB3] =	sst s10  }
0x38: {  	s10 =	sld [smem:$0x3FB4]  }
0x39: {  	_ = 	snop;
	(pc) =	sbr.ind lr, $3  }
0x3a: {  	_ = 	snop  }
0x3b: {  	_ = 	snop  }
0x3c: {  	p2 =	seq.s32 s10, $0x1;
	s10 =	sld [smem:$0x3FB3]  }
0x3d: {  	_ =	shalt  }
0x3e: {  	_ =	shalt  }
0x3f: {  	_ =	shalt  }
0x40: {  	_ =	shalt  }
0x41: {  	_ =	shalt  }
0x42: {  	_ =	shalt  }
0x43: {  	_ =	shalt  }
0x44: {  	_ =	shalt  }
0x45: {  	_ =	shalt  }
0x46: {  	_ =	shalt  }
0x47: {  	_ =	shalt  }
0x48: {  	_ =	shalt  }
0x49: {  	_ =	shalt  }
0x4a: {  	_ =	shalt  }
0x4b: {  	_ =	shalt  }
0x4c: {  	_ =	shalt  }
0x4d: {  	_ =	shalt  }
0x4e: {  	_ =	shalt  }
0x4f: {  	_ =	shalt  }
0x50: {  	_ =	shalt  }
0x51: {  	_ =	shalt  }
0x52: {  	_ =	shalt  }
0x53: {  	_ =	shalt  }
0x54: {  	_ =	shalt  }
0x55: {  	_ =	shalt  }
0x56: {  	_ =	shalt  }
0x57: {  	_ =	shalt  }
0x58: {  	_ =	shalt  }
0x59: {  	_ =	shalt  }
0x5a: {  	_ =	shalt  }
0x5b: {  	_ =	shalt  }
0x5c: {  	_ =	shalt  }
0x5d: {  	_ =	shalt  }
0x5e: {  	_ =	shalt  }
0x5f: {  	_ =	shalt  }
0x60: {  	_ =	shalt  }
0x61: {  	_ =	shalt  }
0x62: {  	_ =	shalt  }
0x63: {  	_ =	shalt  }
0x64: {  	_ =	shalt  }
0x65: {  	_ =	shalt  }
0x66: {  	_ =	shalt  }
0x67: {  	_ =	shalt  }
0x68: {  	_ =	shalt  }
0x69: {  	_ =	shalt  }
0x6a: {  	_ =	shalt  }
0x6b: {  	_ =	shalt  }
0x6c: {  	_ =	shalt  }
0x6d: {  	_ =	shalt  }
0x6e: {  	_ =	shalt  }
0x6f: {  	_ =	shalt  }
0x70: {  	_ =	shalt  }
0x71: {  	_ =	shalt  }
0x72: {  	_ =	shalt  }
0x73: {  	_ =	shalt  }
0x74: {  	_ =	shalt  }
0x75: {  	_ =	shalt  }
0x76: {  	_ =	shalt  }
0x77: {  	_ =	shalt  }
0x78: {  	_ =	shalt  }
0x79: {  	_ =	shalt  }
0x7a: {  	_ =	shalt  }
0x7b: {  	_ =	shalt  }
0x7c: {  	_ =	shalt  }
0x7d: {  	_ =	shalt  }
0x7e: {  	_ =	shalt  }
0x7f: {  	_ =	shalt  }
0x80: {  	_ =	shalt  }
0x81: {  	_ =	shalt  }
0x82: {  	_ =	shalt  }
0x83: {  	_ =	shalt  }
0x84: {  	_ =	shalt  }
0x85: {  	_ =	shalt  }
0x86: {  	_ =	shalt  }
0x87: {  	_ =	shalt  }
.Lfunc_end0:
.L_simem_size_0:
called_computation_lowered:
.L_overlay_start_0:
0x88: {  	s2 =	sld [smem:$0x3FD9]  }
0x89: {  	s3 =	sld [smem:$0x3FFE];
	_ =	sdelay $0x1  }
0x8a: {  	s1 =	srdreg.scid  }
0x8b: {  	s0 =	sand.u32 $0x1, s1  }
0x8c: {  	s17 =	sshll.u32 s0, $0xA;
	s2 =	sadd.s32 s3, s2  }
0x8d: {  	s2 =	sadd.s32 s2, s17  }
0x8e: {  	[smem:$0x3FBF] =	sst s2  }
0x8f: {  	_ = 	snop  }
0x90: {  	s2 =	sld [smem:$0x3FD0];
	(tm) =	ssettm $0x1  }
0x91: {  	s18 =	sld [smem:$0x3FFB];
	_ =	sdelay $0x3  }
0x92: {  	_ =	strace s18  }
0x93: {  	s3 =	sld [smem:$0x3FFC];
	_ =	sdelay $0x3  }
0x94: {  	_ =	strace s3  }
0x95: {  	s3 =	sld [smem:$0x3FFD];
	_ =	sdelay $0x3  }
0x96: {  	_ =	strace s3  }
0x97: {  	_ =	strace $0x8FFFFFFF  }
0x98: {  	s19 =	sld [smem:$0x3FDB];
	_ =	sdelay $0x1  }
0x99: {  	s4 =	simm.s32 $_scs_section_size  }
0x9a: {  	s5 =	simm.s32 $_size__tile_overlayer_lowered;
	s6 =	simm.s32 $_tile_overlayer_lowered  }
0x9b: {  	s22 =	simm.s32 $0x1BFF;
	s21 =	sshll.u32 s6, $0x1;
	s3 =	sadd.s32 s4, s19  }
0x9c: {  	s7 =	simm.s32 $0x0;
	s20 =	sshll.u32 s5, $0x1;
	s5 =	sadd.s32 s21, s3  }
0x9d: {  	[timem:s7], [sflag:s22] =	dma.local [hbm:s5], s20  }
0x9e: {  	_ =	swait.ge [sflag:s22], s20  }
0x9f: {  	s4 =	ssub.s32 $0x0, s20;
	[sflag:s22] =	ssyncset.done $0x0  }
0xa0: {  	[sflag:s22] =	ssyncadd.s32 s4;
	_ =	sdelay $0x1  }
0xa1: {  	s23 =	simm.s32 $0x1B8B  }
0xa2: {  	_ =	swait.ge [sflag:s23], $0x1  }
0xa3: {  	[sflag:s23] =	ssyncset.done $0x0  }
0xa4: {  	s25 =	simm.s32 $0x1B8E;
	s24 =	sld [smem:$0x3FFE];
	[sflag:s23] =	ssyncadd.s32 $0xFFFFFFFF  }
0xa5: {  	s26 =	simm.s32 $execute0_lowered;
	[smem:$0x3FD2] =	sst s25  }
0xa6: {  	s5 =	sshll.u32 s26, $0x1;
	_ =	strace $0x80000046;
	[dreg:$0x1] =	wrdreg $0xFFFFFFFF  }
0xa7: {  	s28 =	simm.s32 $_size_execute0_lowered;
	s3 =	sadd.s32 s3, s5;
	[dreg:$0x0] =	wrdreg $0x0  }
0xa8: {  	s5 =	sshll.u32 s28, $0x1;
	[dreg:$0x2] =	wrdreg s3  }
0xa9: {  	[dreg:$0x3] =	wrdreg s5  }
0xaa: {  	[dreg:$0x4] =	wrdreg $0xC0  }
0xab: {  	_ =	task [dreg:s7], $0x5FFFF  }
0xac: {  	[dreg:$0x1] =	wrdreg $0xFFFFFFFF  }
0xad: {  	[dreg:$0x0] =	wrdreg $0x60  }
0xae: {  	[dreg:$0x2] =	wrdreg s2  }
0xaf: {  	[dreg:$0x3] =	wrdreg s24  }
0xb0: {  	[dreg:$0x4] =	wrdreg $0x9  }
0xb1: {  	_ =	task.clear_ibuf [dreg:s7], $0x5FFFF;
	_ =	strace $0x90000046  }
0xb2: {  	s29 =	simm.s32 $0x9;
	_ =	strace $0x80000048  }
0xb3: {  	_ =	swait.ge [sflag:s29], $0x1  }
0xb4: {  	[sflag:s29] =	ssyncadd.s32 $0xFFFFFFFF  }
0xb5: {  	_ =	strace $0x90000048  }
0xb6: {  	_ =	sfence  }
0xb7: {  	s30 =	sld [smem:$0x0];
	_ =	sdelay $0x2  }
0xb8: {  	s31 =	sshll.u32 s1, $0xD;
	s1 =	sshrl.u32 s1, $0x2  }
0xb9: {  	s3 =	sand.u32 $0x4000, s31;
	s1 =	sadd.s32 s1, s30  }
0xba: {  	s0 =	sor.u32 s3, s0;
	s1 =	sshll.u32 s1, $0x11  }
0xbb: {  	s0 =	sor.u32 s1, s0  }
0xbc: {  	s0 =	sadd.s32 $0x8F2B, s0  }
0xbd: {  	[sflag:s0] =	ssyncadd.remote.s32 $0x1  }
0xbe: {  	_ =	sfence.sel $0xFFFF  }
0xbf: {  	[dreg:$0x0] =	wrdreg $0xFFFFFFFF;
	(pc) =	sbr.abs _section_cstart, $3  }
0xc0: {  	[dreg:$0x1] =	wrdreg $0xFFFFFFFF  }
0xc1: {  	_ =	task.clear_ibuf [dreg:s7], $0x2FFFF;
	_ =	strace $0x9FFFFFFF  }
0xc2: {  	(tm) =	ssettm $0x7FFFFFFF  }
0xc3: {  	_ =	shalt  }
tec
execute0_lowered:
.L_overlay_start_1:
0x0: {  	(tag) =	ssettag $0x1  }
0x1: {  	s0 =	rddreg [dreg:$0x0]  }
0x2: {  	s4 =	rddreg [dreg:$0x1]  }
0x3: {  	s2 =	simm.s32 $0x0;
	s1 =	stileid.u32;
	s3 =	srdreg.scid  }
0x4: {  	s12 =	simm.s32 $0x1000;
	s13 =	simm.s32 $0x2000;
	s14 =	simm.s32 $0x80  }
0x5: {  	s15 =	simm.s32 $0x7000;
	s16 =	simm.s32 $0x7080;
	s17 =	simm.s32 $0x1  }
0x6: {  	s18 =	simm.s32 $0x0;
	[smem:$0x7FF] =	sst s2;
	s9 =	sshrl.u32 s1, $0x2  }
0x7: {  	s5 =	sand.u32 $0x1, s3;
	s3 =	sadd.s32 $0x42000, s4;
	s4 =	sadd.s32 $0x5A000, s4  }
0x8: {  	s10 =	sshll.u32 s1, $0x1;
	_ =	strace $0x80000047;
	s6 =	smul.u32 $0x3000, s9  }
.Ltmp0:
0x9: {  	s7 =	ssub.s32 $0x2, s5;
	s10 =	sor.u32 s5, s10;
	(pc) =	sbr.rel .LBB2_1-.Ltmp0, $4  }
0xa: {  	s31 =	sshll.u32 s9, $0xC;
	s8 =	sshrl.u32 s7, $0x1;
	s30 =	sshll.u32 s10, $0x9  }
0xb: {  	s9 =	sshll.u32 s10, $0xE;
	s6 =	sshrl.u32 s6, $0x3;
	s11 =	ssub.s32 s7, s8  }
0xc: {  	s8 =	sand.u32 $0xE00, s30;
	s5 =	sadd.s32 s0, s6;
	s10 =	smax.u32 s11, $0x1  }
0xd: {  	v1 =	vlaneseq.u32;
	v0 =	vmov s31;
	s11 =	simm.s32 $0x2;
	s6 =	sadd.s32 $0x200, s5;
	s7 =	sadd.s32 $0x400, s5  }
.LBB2_16:
0xe: {  	s18 =	sadd.s32 $0x1, s18  }
0xf: {  	p0 =	sne.s32 s18, s10  }
.Ltmp1:
0x10: {  	_ = 	snop;
	(pc) =	sbr.rel @!p0 .LBB2_17-.Ltmp1, $1  }
0x11: {  	_ =	sdelay $0x3  }
.LBB2_1:
0x12: {  	[tilespmem:s2], [sflag:$0x2] =	stream.linear.gather [hbm4b:s5+s2], $0x1000, $0x38;
	[tilespmem:$0x8880] =	vst v63  }
0x13: {  	_ =	swait.ge [sflag:s11], $0x1000  }
0x14: {  	[sflag:s11] =	ssyncset.done $0x0  }
0x15: {  	[sflag:s11] =	ssyncadd.s32 $0xFFFFF000  }
0x16: {  	[tilespmem:s12], [sflag:$0x2] =	stream.linear.gather [hbm4b:s6+s2], $0x1000, $0x38;
	[tilespmem:$0x8880] =	vst v63  }
0x17: {  	_ =	swait.ge [sflag:s11], $0x1000  }
0x18: {  	[sflag:s11] =	ssyncset.done $0x0  }
0x19: {  	[sflag:s11] =	ssyncadd.s32 $0xFFFFF000  }
0x1a: {  	[tilespmem:s13], [sflag:$0x2] =	stream.linear.gather [hbm4b:s7+s2], $0x1000, $0x38;
	[tilespmem:$0x8880] =	vst v63  }
0x1b: {  	_ =	swait.ge [sflag:s11], $0x1000  }
0x1c: {  	[sflag:s11] =	ssyncset.done $0x0  }
0x1d: {  	s20 =	simm.s32 $0x0;
	[sflag:s11] =	ssyncadd.s32 $0xFFFFF000  }
0x1e: {  	v2 =	vld [tilespmem:s20+$0x0]  }
0x1f: {  	v3 =	vld [tilespmem:s20+$0x1000]  }
0x20: {  	v6 =	vld [tilespmem:s20+$0x2000];
	_ =	sdelay $0x3  }
0x21: {  	s19 =	simm.s32 $0x10;
	v5 =	vmul.f32 v2, v2;
	v7 =	vmul.f32 v3, v3;
	v8 =	vshrl.u32 v2, $0x10  }
0x22: {  	v4 =	vld [tilespmem:s19+$0x0];
	v9 =	vshrl.u32 v3, $0x10;
	v10 =	vmul.f32 v6, v6;
	v11 =	vshrl.u32 v6, $0x10  }
0x23: {  	v8 =	vand.u32 $0x1, v8;
	v9 =	vand.u32 $0x1, v9;
	v7 =	vadd.f32 v7, v5;
	v5 =	vld [tilespmem:s19+$0x1000]  }
0x24: {  	v2 =	vadd.s32 v8, v2;
	v8 =	vadd.s32 v9, v3;
	v9 =	vand.u32 $0x1, v11  }
0x25: {  	v3 =	vld [tilespmem:s19+$0x2000];
	v2 =	vadd.s32 $0x7FFF, v2;
	v6 =	vadd.s32 v9, v6  }
0x26: {  	v8 =	vadd.s32 $0x7FFF, v8;
	v7 =	vadd.f32 v10, v7;
	v2 =	vand.u32 $0xFFFF0000, v2  }
0x27: {  	v6 =	vadd.s32 $0x7FFF, v6;
	v10 =	vshrl.u32 v4, $0x10;
	v11 =	vand.u32 $0xFFFF0000, v8;
	[tilespmem:s20+$0x3000] =	vst v2  }
0x28: {  	s21 =	simm.s32 $0x20;
	[tilespmem:s20+$0x6000] =	vst v7;
	v7 =	vmul.f32 v4, v4;
	v8 =	vshrl.u32 v5, $0x10;
	v9 =	vmul.f32 v5, v5  }
0x29: {  	s0 =	simm.s32 $0xC0;
	v6 =	vand.u32 $0xFFFF0000, v6;
	v10 =	vand.u32 $0x1, v10;
	v2 =	vld [tilespmem:s21+$0x0];
	[tilespmem:s20+$0x4000] =	vst v11;
	v8 =	vand.u32 $0x1, v8  }
.LBB2_2:
0x2a: {  	p0 =	sne.s32 s0, $0x3FC0;
	v11 =	vld [tilespmem:s21+$0x1000];
	v12 =	vshrl.u32 v3, $0x10;
	v7 =	vadd.f32 v9, v7;
	v9 =	vmul.f32 v3, v3;
	[tilespmem:s20+$0x5000] =	vst v6;
	s20 =	smov.u32 s19;
	s19 =	smov.u32 s21  }
0x2b: {  	v4 =	vadd.s32 v10, v4;
	v5 =	vadd.s32 v8, v5;
	v6 =	vand.u32 $0x1, v12  }
.Ltmp2:
0x2c: {  	v13 =	vadd.s32 $0x7FFF, v4;
	v6 =	vadd.s32 v6, v3;
	v3 =	vld [tilespmem:s19+$0x2000];
	v7 =	vadd.f32 v9, v7;
	(pc) =	sbr.rel @p0 .LBB2_2-.Ltmp2, $4  }
0x2d: {  	v8 =	vand.u32 $0xFFFF0000, v13;
	v9 =	vadd.s32 $0x7FFF, v5;
	v14 =	vadd.s32 $0x7FFF, v6  }
0x2e: {  	v12 =	vand.u32 $0xFFFF0000, v9;
	v10 =	vshrl.u32 v2, $0x10;
	v6 =	vand.u32 $0xFFFF0000, v14;
	[tilespmem:s20+$0x6000] =	vst v7;
	v4 =	vmovc v2  }
0x2f: {  	s21 =	sshra.s32 s0, $0x2;
	v13 =	vshrl.u32 v11, $0x10;
	v7 =	vmul.f32 v2, v4;
	v9 =	vmul.f32 v11, v11;
	[tilespmem:s20+$0x3000] =	vst v8;
	v5 =	vmovc v11  }
0x30: {  	s0 =	sadd.s32 $0x40, s0;
	v10 =	vand.u32 $0x1, v10;
	v2 =	vld [tilespmem:s21+$0x0];
	v8 =	vand.u32 $0x1, v13;
	[tilespmem:s20+$0x4000] =	vst v12  }
0x31: {  	v11 =	vld [tilespmem:s21+$0x1000];
	v12 =	vshrl.u32 v3, $0x10;
	[tilespmem:s20+$0x5000] =	vst v6;
	v51 =	vadd.f32 v9, v7  }
0x32: {  	v52 =	vmul.f32 v3, v3;
	v4 =	vadd.s32 v10, v4;
	v5 =	vadd.s32 v8, v5;
	v53 =	vld [tilespmem:s21+$0x2000]  }
0x33: {  	v54 =	vand.u32 $0x1, v12;
	v4 =	vadd.s32 $0x7FFF, v4;
	v5 =	vadd.s32 $0x7FFF, v5  }
0x34: {  	v3 =	vadd.s32 v54, v3;
	v6 =	vadd.f32 v52, v51;
	v4 =	vand.u32 $0xFFFF0000, v4  }
0x35: {  	v5 =	vand.u32 $0xFFFF0000, v5;
	v3 =	vadd.s32 $0x7FFF, v3;
	v55 =	vmul.f32 v2, v2  }
0x36: {  	v57 =	vshrl.u32 v2, $0x10;
	v3 =	vand.u32 $0xFFFF0000, v3;
	v56 =	vmul.f32 v11, v11  }
0x37: {  	[tilespmem:s19+$0x3000] =	vst v4;
	v58 =	vshrl.u32 v11, $0x10;
	v60 =	vand.u32 $0x1, v57;
	v59 =	vmul.f32 v53, v53  }
0x38: {  	[tilespmem:s19+$0x6000] =	vst v6;
	v6 =	vand.u32 $0x1, v58;
	v61 =	vshrl.u32 v53, $0x10;
	v2 =	vadd.s32 v60, v2  }
0x39: {  	[tilespmem:s19+$0x5000] =	vst v3;
	v7 =	vadd.f32 v56, v55;
	v3 =	vadd.s32 v6, v11;
	v2 =	vadd.s32 $0x7FFF, v2  }
0x3a: {  	[tilespmem:s19+$0x4000] =	vst v5;
	v5 =	vand.u32 $0x1, v61;
	v2 =	vand.u32 $0xFFFF0000, v2;
	v3 =	vadd.s32 $0x7FFF, v3  }
0x3b: {  	v5 =	vadd.s32 v5, v53;
	v62 =	vadd.f32 v59, v7;
	v3 =	vand.u32 $0xFFFF0000, v3;
	[tilespmem:s21+$0x3000] =	vst v2  }
0x3c: {  	v63 =	vadd.s32 $0x7FFF, v5;
	[tilespmem:s21+$0x4000] =	vst v3  }
0x3d: {  	v2 =	vand.u32 $0xFFFF0000, v63;
	[tilespmem:s21+$0x6000] =	vst v62  }
0x3e: {  	s20 =	simm.s32 $0x0;
	s19 =	simm.s32 $0x0;
	[tilespmem:s21+$0x5000] =	vst v2  }
.LBB2_4:
0x3f: {  	s0 =	sshll.u32 s20, $0x2  }
0x40: {  	s21 =	sor.u32 s8, s0  }
0x41: {  	v2 =	vmov s21  }
0x42: {  	v2 =	vand.u32 $0xFFFFFFFC, v2  }
0x43: {  	v2 =	vbroadcast v2, $0x0;
	_ =	sdelay $0x1  }
0x44: {  	s23 =	simm.s32 $0x3000  }
0x45: {  	s25 =	simm.s32 $0x4000;
	v10 =	vld [tilespmem:s23+$0x0]  }
0x46: {  	s24 =	simm.s32 $0x5000;
	p1 =	por $0x1, $0x1;
	v11 =	vld [tilespmem:s25+$0x0]  }
.Ltmp3:
0x47: {  	v12 =	vld [tilespmem:s24+$0x0];
	(pc) =	sbr.rel @!p1 .LBB2_5-.Ltmp3, $4  }
0x48: {  	v5 =	vld.idx.msk [tilespmem:v2+s23+$0x0], $0xffff  }
0x49: {  	v6 =	vld.idx.msk [tilespmem:v2+s25+$0x0], $0xffff  }
0x4a: {  	s22 =	simm.s32 $0x6000;
	v7 =	vld.idx.msk [tilespmem:v2+s24+$0x0], $0xffff  }
0x4b: {  	v3 =	vimm.f32 $3.399999950e+38;
	s26 =	simm.s32 $0x10;
	p0 =	por $0x0, $0x0;
	v4 =	vld.idx.msk [tilespmem:v2+s22+$0x0], $0xffff;
	v2 =	vimm.s32 $0x0  }
0x4c: {  	_ =	sdelay $0x1  }
0x4d: {  	v8 =	vmul.f32 v10, v5;
	v9 =	vmul.f32 v11, v6;
	_ =	sdelay $0x1  }
0x4e: {  	v8 =	vadd.f32 v9, v8;
	v9 =	vmul.f32 v12, v7;
	_ =	sdelay $0x1  }
0x4f: {  	v8 =	vadd.f32 v9, v8  }
0x50: {  	v9 =	vld [tilespmem:s22+$0x0]  }
0x51: {  	v8 =	vadd.f32 v8, v8;
	_ =	sdelay $0x1  }
0x52: {  	v8 =	vsub.f32 v4, v8;
	_ =	sdelay $0x1  }
0x53: {  	v8 =	vadd.f32 v8, v9  }
0x54: {  	v9 =	vor.u32 s19, v1  }
0x55: {  	(xrf1) =	vsort.dscd.msk.f32 $0xffff, v8, v9;
	_ =	sdelay $0xb  }
0x56: {  	p1 =	por $0x1, $0x1  }
.Ltmp4:
0x57: {  	s29 =	simm.s32 $0x3010;
	(pc) =	sbr.rel @!p1 .LBB2_7-.Ltmp4, $4  }
0x58: {  	s30 =	simm.s32 $0x4010;
	v10 =	vld [tilespmem:s29+$0x0];
	v8, v9, _ =	vpop (xrf1)  }
0x59: {  	v11 =	vld [tilespmem:s30+$0x0];
	vm0 =	vle.f32 v3, v8  }
0x5a: {  	s31 =	simm.s32 $0x5010;
	v8 =	vsel vm0, v3, v8;
	v9 =	vsel vm0, v2, v9  }
0x5b: {  	s0 =	simm.s32 $0x20;
	p0 =	por $0x1, $0x1;
	s28 =	simm.s32 $0x6000;
	v12 =	vld [tilespmem:s31+$0x0];
	(xrf1) =	vsort.dscd.msk.f32 $0xffff, v8, v9;
	v9 =	vimm.f32 $3.399999950e+38;
	v8 =	vimm.s32 $0x0  }
.LBB2_8:
0x5c: {  	p1 =	sne.s32 s0, $0xFF0;
	_ =	sdelay $0x1  }
0x5d: {  	v10 =	vmul.f32 v10, v5;
	v11 =	vmul.f32 v11, v6;
	_ =	sdelay $0x1  }
0x5e: {  	v10 =	vadd.f32 v11, v10;
	v11 =	vmul.f32 v12, v7;
	_ =	sdelay $0x1  }
0x5f: {  	s28 =	sadd.s32 $0x10, s28;
	v10 =	vadd.f32 v11, v10  }
0x60: {  	v11 =	vld [tilespmem:s28+$0x0]  }
0x61: {  	v10 =	vadd.f32 v10, v10;
	_ =	sdelay $0x1  }
0x62: {  	v10 =	vsub.f32 v4, v10;
	_ =	sdelay $0x1  }
0x63: {  	v10 =	vadd.f32 v10, v11  }
0x64: {  	v11 =	vor.u32 s26, v1;
	s26 =	smov.u32 s0;
	v12, v13, _ =	vpop (xrf1)  }
0x65: {  	(xrf1) =	vsort.dscd.msk.f32 $0xffff, v10, v11;
	vm0 =	vle.f32 v9, v12  }
0x66: {  	v10 =	vsel vm0, v9, v12;
	v9 =	vsel vm0, v12, v9;
	v11 =	vsel vm0, v13, v8  }
0x67: {  	v8 =	vsel vm0, v8, v13;
	(xrf1) =	vsort.ascd.msk.f32 $0xffff, v9, v11  }
0x68: {  	(xrf1) =	vsort.ascd.msk.f32 $0xffff, v10, v8;
	_ =	sdelay $0xa  }
0x69: {  	v12, v13, _ =	vpop (xrf1)  }
.Ltmp5:
0x6a: {  	s29 =	sadd.s32 $0x10, s29;
	(pc) =	sbr.rel @p1 .LBB2_8-.Ltmp5, $4  }
0x6b: {  	s30 =	sadd.s32 $0x10, s30;
	v10 =	vld [tilespmem:s29+$0x0];
	v14, v15, _ =	vpop (xrf1)  }
0x6c: {  	v11 =	vld [tilespmem:s30+$0x0];
	vm0 =	vle.f32 v14, v12;
	v9, v8, _ =	vpop (xrf1)  }
0x6d: {  	s31 =	sadd.s32 $0x10, s31;
	v14 =	vsel vm0, v14, v12;
	v13 =	vsel vm0, v15, v13  }
0x6e: {  	s0 =	sadd.s32 $0x10, s0;
	v12 =	vld [tilespmem:s31+$0x0];
	(xrf1) =	vsort.dscd.msk.f32 $0xffff, v14, v13  }
.LBB2_9:
0x6f: {  	_ =	sdelay $0x2  }
0x70: {  	v5 =	vmul.f32 v10, v5;
	v6 =	vmul.f32 v11, v6;
	_ =	sdelay $0x1  }
0x71: {  	v5 =	vadd.f32 v6, v5;
	v6 =	vmul.f32 v12, v7  }
0x72: {  	s0 =	sadd.s32 @p0 $0x10, s28;
	s28 =	simm.s32 $0x6000  }
0x73: {  	s28 =	smov.u32 @p0 s0;
	v5 =	vadd.f32 v6, v5  }
0x74: {  	v6 =	vld [tilespmem:s28+$0x0]  }
0x75: {  	v5 =	vadd.f32 v5, v5;
	_ =	sdelay $0x1  }
0x76: {  	v4 =	vsub.f32 v4, v5;
	_ =	sdelay $0x1  }
0x77: {  	v4 =	vadd.f32 v4, v6;
	v5, v6, _ =	vpop @p0 (xrf1)  }
0x78: {  	v7 =	vor.u32 s26, v1;
	vm0 =	vle.f32 @p0 v9, v5  }
0x79: {  	(xrf1) =	vsort.dscd.msk.f32 $0xffff, v4, v7;
	v4 =	vsel @p0 vm0, v5, v9;
	v7 =	vsel @p0 vm0, v6, v8  }
0x7a: {  	(xrf1) =	vsort.ascd.msk.f32 @p0 $0xffff, v4, v7;
	_ =	sdelay $0xc  }
0x7b: {  	v4, v7, _ =	vpop (xrf1)  }
0x7c: {  	v10, v11, _ =	vpop @p0 (xrf1)  }
0x7d: {  	v5 =	vsel @p0 vm0, v9, v5;
	v9 =	vpsel p0, v10, v3  }
0x7e: {  	v6 =	vsel @p0 vm0, v8, v6;
	v8 =	vpsel p0, v11, v2;
	vm13 =	vle.f32 v9, v4  }
0x7f: {  	(xrf1) =	vsort.ascd.msk.f32 @p0 $0xffff, v5, v6;
	v4 =	vsel vm13, v9, v4;
	v5 =	vsel vm13, v8, v7  }
0x80: {  	(xrf1) =	vsort.dscd.msk.f32 $0xffff, v4, v5;
	_ =	sdelay $0xc  }
0x81: {  	v4, v5, _ =	vpop @p0 (xrf1)  }
0x82: {  	v4 =	vpsel p0, v4, v3;
	v6, v7, _ =	vpop (xrf1)  }
0x83: {  	v5 =	vpsel p0, v5, v2;
	vm14 =	vle.f32 v4, v6  }
0x84: {  	v8 =	vsel vm14, v6, v4;
	v9 =	vsel vm14, v7, v5  }
0x85: {  	v4 =	vsel vm14, v4, v6;
	v5 =	vsel vm14, v5, v7;
	(xrf1) =	vsort.ascd.msk.f32 $0xffff, v8, v9  }
0x86: {  	(xrf1) =	vsort.ascd.msk.f32 $0xffff, v4, v5;
	_ =	sdelay $0x7  }
0x87: {  	s30 =	sor.u32 $0x1, s21  }
0x88: {  	v4 =	vmov s30  }
0x89: {  	v4 =	vand.u32 $0xFFFFFFFD, v4;
	_ =	sdelay $0x1  }
0x8a: {  	v7 =	vbroadcast v4, $0x0  }
0x8b: {  	v4, v5, _ =	vpop (xrf1)  }
0x8c: {  	v4, v6, _ =	vpop (xrf1)  }
0x8d: {  	v4 =	vadd.s32 v0, v6  }
0x8e: {  	[tilespmem:$0x7000] =	vst v4;
	v4 =	vadd.s32 v0, v5  }
0x8f: {  	[tilespmem:$0x7010] =	vst v4  }
0x90: {  	v4 =	vld.idx.msk [tilespmem:v7+s23+$0x0], $0xffff  }
0x91: {  	v5 =	vld.idx.msk [tilespmem:v7+s25+$0x0], $0xffff  }
0x92: {  	v8 =	vld [tilespmem:s23+$0x0]  }
0x93: {  	v9 =	vld [tilespmem:s25+$0x0]  }
0x94: {  	v6 =	vld.idx.msk [tilespmem:v7+s24+$0x0], $0xffff  }
0x95: {  	v10 =	vld [tilespmem:s24+$0x0];
	_ =	sdelay $0x2  }
0x96: {  	v8 =	vmul.f32 v8, v4;
	v9 =	vmul.f32 v9, v5;
	_ =	sdelay $0x1  }
0x97: {  	v8 =	vadd.f32 v9, v8;
	v9 =	vmul.f32 v10, v6  }
0x98: {  	v7 =	vld.idx.msk [tilespmem:v7+s22+$0x0], $0xffff  }
0x99: {  	v8 =	vadd.f32 v9, v8  }
0x9a: {  	v9 =	vld [tilespmem:s22+$0x0]  }
0x9b: {  	v8 =	vadd.f32 v8, v8;
	_ =	sdelay $0x1  }
0x9c: {  	v8 =	vsub.f32 v7, v8;
	_ =	sdelay $0x1  }
0x9d: {  	s31 =	simm.s32 $0x0;
	v8 =	vadd.f32 v8, v9  }
0x9e: {  	v9 =	vor.u32 s31, v1  }
0x9f: {  	(xrf1) =	vsort.dscd.msk.f32 $0xffff, v8, v9;
	_ =	sdelay $0xc  }
0xa0: {  	s24 =	simm.s32 $0x3010  }
0xa1: {  	s25 =	simm.s32 $0x4010;
	v8 =	vld [tilespmem:s24+$0x0];
	v10, v11, _ =	vpop (xrf1)  }
0xa2: {  	v9 =	vld [tilespmem:s25+$0x0];
	vm15 =	vle.f32 v3, v10  }
0xa3: {  	s0 =	simm.s32 $0x5010;
	v63 =	vsel vm15, v3, v10;
	v11 =	vsel vm15, v2, v11  }
0xa4: {  	s26 =	simm.s32 $0x20;
	s23 =	simm.s32 $0x10;
	v10 =	vld [tilespmem:s0+$0x0];
	(xrf1) =	vsort.dscd.msk.f32 $0xffff, v63, v11  }
.LBB2_10:
0xa5: {  	p0 =	sne.s32 s26, $0xFF0;
	_ =	sdelay $0x1  }
0xa6: {  	v8 =	vmul.f32 v8, v4;
	v9 =	vmul.f32 v9, v5;
	_ =	sdelay $0x1  }
0xa7: {  	v8 =	vadd.f32 v9, v8;
	v9 =	vmul.f32 v10, v6;
	_ =	sdelay $0x1  }
0xa8: {  	s22 =	sadd.s32 $0x10, s22;
	v8 =	vadd.f32 v9, v8  }
0xa9: {  	v9 =	vld [tilespmem:s22+$0x0]  }
0xaa: {  	v8 =	vadd.f32 v8, v8;
	_ =	sdelay $0x1  }
0xab: {  	v8 =	vsub.f32 v7, v8;
	_ =	sdelay $0x1  }
0xac: {  	v8 =	vadd.f32 v8, v9  }
0xad: {  	v9 =	vor.u32 s23, v1;
	s23 =	smov.u32 s26;
	v10, v11, _ =	vpop (xrf1)  }
0xae: {  	(xrf1) =	vsort.dscd.msk.f32 $0xffff, v8, v9;
	vm0 =	vle.f32 v3, v10  }
0xaf: {  	v8 =	vsel vm0, v3, v10;
	v3 =	vsel vm0, v10, v3;
	v9 =	vsel vm0, v11, v2  }
0xb0: {  	v2 =	vsel vm0, v2, v11;
	(xrf1) =	vsort.ascd.msk.f32 $0xffff, v3, v9  }
0xb1: {  	(xrf1) =	vsort.ascd.msk.f32 $0xffff, v8, v2;
	_ =	sdelay $0xa  }
0xb2: {  	v10, v11, _ =	vpop (xrf1)  }
.Ltmp6:
0xb3: {  	s24 =	sadd.s32 $0x10, s24;
	(pc) =	sbr.rel @p0 .LBB2_10-.Ltmp6, $4  }
0xb4: {  	s25 =	sadd.s32 $0x10, s25;
	v8 =	vld [tilespmem:s24+$0x0];
	v12, v13, _ =	vpop (xrf1)  }
0xb5: {  	v9 =	vld [tilespmem:s25+$0x0];
	vm0 =	vle.f32 v12, v10;
	v3, v2, _ =	vpop (xrf1)  }
0xb6: {  	s0 =	sadd.s32 $0x10, s0;
	v12 =	vsel vm0, v12, v10;
	v11 =	vsel vm0, v13, v11  }
0xb7: {  	s26 =	sadd.s32 $0x10, s26;
	v10 =	vld [tilespmem:s0+$0x0];
	(xrf1) =	vsort.dscd.msk.f32 $0xffff, v12, v11  }
0xb8: {  	_ =	sdelay $0x2  }
0xb9: {  	v4 =	vmul.f32 v8, v4;
	v5 =	vmul.f32 v9, v5;
	_ =	sdelay $0x1  }
0xba: {  	v4 =	vadd.f32 v5, v4;
	v5 =	vmul.f32 v10, v6;
	_ =	sdelay $0x1  }
0xbb: {  	s0 =	sadd.s32 $0x10, s22;
	v4 =	vadd.f32 v5, v4  }
0xbc: {  	v5 =	vld [tilespmem:s0+$0x0]  }
0xbd: {  	v4 =	vadd.f32 v4, v4;
	_ =	sdelay $0x1  }
0xbe: {  	v4 =	vsub.f32 v7, v4;
	_ =	sdelay $0x1  }
0xbf: {  	v4 =	vadd.f32 v4, v5;
	v5, v6, _ =	vpop (xrf1)  }
0xc0: {  	v7 =	vor.u32 s23, v1;
	vm0 =	vle.f32 v3, v5  }
0xc1: {  	(xrf1) =	vsort.dscd.msk.f32 $0xffff, v4, v7;
	v4 =	vsel vm0, v5, v3;
	v7 =	vsel vm0, v6, v2  }
0xc2: {  	(xrf1) =	vsort.ascd.msk.f32 $0xffff, v4, v7;
	_ =	sdelay $0xc  }
0xc3: {  	v4, v7, _ =	vpop (xrf1)  }
0xc4: {  	v8, v9, _ =	vpop (xrf1)  }
0xc5: {  	v3 =	vsel vm0, v3, v5;
	v2 =	vsel vm0, v2, v6;
	vm13 =	vle.f32 v8, v4  }
0xc6: {  	(xrf1) =	vsort.ascd.msk.f32 $0xffff, v3, v2;
	v2 =	vsel vm13, v8, v4;
	v3 =	vsel vm13, v9, v7  }
0xc7: {  	(xrf1) =	vsort.dscd.msk.f32 $0xffff, v2, v3;
	_ =	sdelay $0xc  }
0xc8: {  	v2, v3, _ =	vpop (xrf1)  }
0xc9: {  	v4, v5, _ =	vpop (xrf1)  }
0xca: {  	vm14 =	vle.f32 v2, v4  }
0xcb: {  	v6 =	vsel vm14, v4, v2;
	v7 =	vsel vm14, v5, v3  }
0xcc: {  	v2 =	vsel vm14, v2, v4;
	v3 =	vsel vm14, v3, v5;
	(xrf1) =	vsort.ascd.msk.f32 $0xffff, v6, v7  }
0xcd: {  	(xrf1) =	vsort.ascd.msk.f32 $0xffff, v2, v3;
	_ =	sdelay $0x7  }
0xce: {  	s26 =	sor.u32 $0x2, s21  }
0xcf: {  	v2 =	vmov s26  }
0xd0: {  	v2 =	vand.u32 $0xFFFFFFFE, v2;
	_ =	sdelay $0x1  }
0xd1: {  	v5 =	vbroadcast v2, $0x0  }
0xd2: {  	v2, v3, _ =	vpop (xrf1)  }
0xd3: {  	v2, v4, _ =	vpop (xrf1)  }
0xd4: {  	v2 =	vadd.s32 v0, v4  }
0xd5: {  	[tilespmem:$0x7020] =	vst v2;
	v2 =	vadd.s32 v0, v3  }
0xd6: {  	s28 =	simm.s32 $0x3000;
	[tilespmem:$0x7030] =	vst v2  }
0xd7: {  	s29 =	simm.s32 $0x4000;
	v2 =	vld.idx.msk [tilespmem:v5+s28+$0x0], $0xffff  }
0xd8: {  	v3 =	vld.idx.msk [tilespmem:v5+s29+$0x0], $0xffff  }
0xd9: {  	v6 =	vld [tilespmem:s28+$0x0]  }
0xda: {  	s30 =	simm.s32 $0x5000;
	v7 =	vld [tilespmem:s29+$0x0]  }
0xdb: {  	v4 =	vld.idx.msk [tilespmem:v5+s30+$0x0], $0xffff  }
0xdc: {  	v8 =	vld [tilespmem:s30+$0x0];
	_ =	sdelay $0x2  }
0xdd: {  	v6 =	vmul.f32 v6, v2;
	v7 =	vmul.f32 v7, v3;
	_ =	sdelay $0x1  }
0xde: {  	s22 =	simm.s32 $0x6000;
	v6 =	vadd.f32 v7, v6;
	v7 =	vmul.f32 v8, v4  }
0xdf: {  	v5 =	vld.idx.msk [tilespmem:v5+s22+$0x0], $0xffff  }
0xe0: {  	v6 =	vadd.f32 v7, v6  }
0xe1: {  	v7 =	vld [tilespmem:s22+$0x0]  }
0xe2: {  	v6 =	vadd.f32 v6, v6;
	_ =	sdelay $0x1  }
0xe3: {  	v6 =	vsub.f32 v5, v6;
	_ =	sdelay $0x1  }
0xe4: {  	s31 =	simm.s32 $0x0;
	v6 =	vadd.f32 v6, v7  }
0xe5: {  	v7 =	vor.u32 s31, v1  }
0xe6: {  	(xrf1) =	vsort.dscd.msk.f32 $0xffff, v6, v7;
	_ =	sdelay $0xc  }
0xe7: {  	s25 =	simm.s32 $0x4010  }
0xe8: {  	s24 =	simm.s32 $0x3010;
	v9 =	vld [tilespmem:s25+$0x0];
	v7 =	vimm.f32 $3.399999950e+38;
	v10, v11, _ =	vpop (xrf1)  }
0xe9: {  	v8 =	vld [tilespmem:s24+$0x0];
	v6 =	vimm.s32 $0x0;
	vm15 =	vle.f32 v7, v10  }
0xea: {  	s0 =	simm.s32 $0x5010;
	v12 =	vsel vm15, v7, v10;
	v11 =	vsel vm15, v6, v11  }
0xeb: {  	s23 =	simm.s32 $0x10;
	s26 =	simm.s32 $0x20;
	v10 =	vld [tilespmem:s0+$0x0];
	(xrf1) =	vsort.dscd.msk.f32 $0xffff, v12, v11  }
.LBB2_12:
0xec: {  	p0 =	sne.s32 s26, $0xFF0;
	_ =	sdelay $0x1  }
0xed: {  	v8 =	vmul.f32 v8, v2;
	v9 =	vmul.f32 v9, v3;
	_ =	sdelay $0x1  }
0xee: {  	v8 =	vadd.f32 v9, v8;
	v9 =	vmul.f32 v10, v4;
	_ =	sdelay $0x1  }
0xef: {  	s22 =	sadd.s32 $0x10, s22;
	v8 =	vadd.f32 v9, v8  }
0xf0: {  	v9 =	vld [tilespmem:s22+$0x0]  }
0xf1: {  	v8 =	vadd.f32 v8, v8;
	_ =	sdelay $0x1  }
0xf2: {  	v8 =	vsub.f32 v5, v8;
	_ =	sdelay $0x1  }
0xf3: {  	v8 =	vadd.f32 v8, v9  }
0xf4: {  	v9 =	vor.u32 s23, v1;
	s23 =	smov.u32 s26;
	v10, v11, _ =	vpop (xrf1)  }
0xf5: {  	(xrf1) =	vsort.dscd.msk.f32 $0xffff, v8, v9;
	vm0 =	vle.f32 v7, v10  }
0xf6: {  	v8 =	vsel vm0, v7, v10;
	v7 =	vsel vm0, v10, v7;
	v9 =	vsel vm0, v11, v6  }
0xf7: {  	v6 =	vsel vm0, v6, v11;
	(xrf1) =	vsort.ascd.msk.f32 $0xffff, v7, v9  }
0xf8: {  	(xrf1) =	vsort.ascd.msk.f32 $0xffff, v8, v6;
	_ =	sdelay $0xa  }
0xf9: {  	v10, v11, _ =	vpop (xrf1)  }
.Ltmp7:
0xfa: {  	s24 =	sadd.s32 $0x10, s24;
	(pc) =	sbr.rel @p0 .LBB2_12-.Ltmp7, $4  }
0xfb: {  	s25 =	sadd.s32 $0x10, s25;
	v8 =	vld [tilespmem:s24+$0x0];
	v12, v13, _ =	vpop (xrf1)  }
0xfc: {  	v9 =	vld [tilespmem:s25+$0x0];
	vm0 =	vle.f32 v12, v10;
	v7, v6, _ =	vpop (xrf1)  }
0xfd: {  	s0 =	sadd.s32 $0x10, s0;
	v12 =	vsel vm0, v12, v10;
	v11 =	vsel vm0, v13, v11  }
0xfe: {  	s26 =	sadd.s32 $0x10, s26;
	v10 =	vld [tilespmem:s0+$0x0];
	(xrf1) =	vsort.dscd.msk.f32 $0xffff, v12, v11  }
0xff: {  	_ =	sdelay $0x2  }
0x100: {  	v2 =	vmul.f32 v8, v2;
	v3 =	vmul.f32 v9, v3;
	_ =	sdelay $0x1  }
0x101: {  	v2 =	vadd.f32 v3, v2;
	v3 =	vmul.f32 v10, v4;
	_ =	sdelay $0x1  }
0x102: {  	s0 =	sadd.s32 $0x10, s22;
	v2 =	vadd.f32 v3, v2  }
0x103: {  	v3 =	vld [tilespmem:s0+$0x0]  }
0x104: {  	v2 =	vadd.f32 v2, v2;
	_ =	sdelay $0x1  }
0x105: {  	v2 =	vsub.f32 v5, v2;
	_ =	sdelay $0x1  }
0x106: {  	v2 =	vadd.f32 v2, v3;
	v3, v4, _ =	vpop (xrf1)  }
0x107: {  	v5 =	vor.u32 s23, v1;
	vm0 =	vle.f32 v7, v3  }
0x108: {  	(xrf1) =	vsort.dscd.msk.f32 $0xffff, v2, v5;
	v2 =	vsel vm0, v3, v7;
	v5 =	vsel vm0, v4, v6  }
0x109: {  	(xrf1) =	vsort.ascd.msk.f32 $0xffff, v2, v5;
	_ =	sdelay $0xc  }
0x10a: {  	v2, v5, _ =	vpop (xrf1)  }
0x10b: {  	v8, v9, _ =	vpop (xrf1)  }
0x10c: {  	v3 =	vsel vm0, v7, v3;
	v4 =	vsel vm0, v6, v4;
	vm13 =	vle.f32 v8, v2  }
0x10d: {  	(xrf1) =	vsort.ascd.msk.f32 $0xffff, v3, v4;
	v2 =	vsel vm13, v8, v2;
	v3 =	vsel vm13, v9, v5  }
0x10e: {  	(xrf1) =	vsort.dscd.msk.f32 $0xffff, v2, v3;
	_ =	sdelay $0xc  }
0x10f: {  	v2, v3, _ =	vpop (xrf1)  }
0x110: {  	v4, v5, _ =	vpop (xrf1)  }
0x111: {  	vm14 =	vle.f32 v2, v4  }
0x112: {  	v6 =	vsel vm14, v4, v2;
	v7 =	vsel vm14, v5, v3  }
0x113: {  	v2 =	vsel vm14, v2, v4;
	v3 =	vsel vm14, v3, v5;
	(xrf1) =	vsort.ascd.msk.f32 $0xffff, v6, v7  }
0x114: {  	(xrf1) =	vsort.ascd.msk.f32 $0xffff, v2, v3;
	_ =	sdelay $0xb  }
0x115: {  	s26 =	sor.u32 $0x3, s21  }
0x116: {  	v5 =	vmov s26;
	v2, v3, _ =	vpop (xrf1)  }
0x117: {  	v2, v4, _ =	vpop (xrf1)  }
0x118: {  	v2 =	vadd.s32 v0, v4  }
0x119: {  	[tilespmem:$0x7040] =	vst v2;
	v2 =	vadd.s32 v0, v3  }
0x11a: {  	s28 =	simm.s32 $0x3000;
	[tilespmem:$0x7050] =	vst v2  }
0x11b: {  	s29 =	simm.s32 $0x4000;
	v2 =	vld.idx.msk [tilespmem:v5+s28+$0x0], $0xffff  }
0x11c: {  	v3 =	vld.idx.msk [tilespmem:v5+s29+$0x0], $0xffff  }
0x11d: {  	v6 =	vld [tilespmem:s28+$0x0]  }
0x11e: {  	s30 =	simm.s32 $0x5000;
	v7 =	vld [tilespmem:s29+$0x0]  }
0x11f: {  	v4 =	vld.idx.msk [tilespmem:v5+s30+$0x0], $0xffff  }
0x120: {  	v8 =	vld [tilespmem:s30+$0x0];
	_ =	sdelay $0x2  }
0x121: {  	v6 =	vmul.f32 v6, v2;
	v7 =	vmul.f32 v7, v3;
	_ =	sdelay $0x1  }
0x122: {  	s21 =	simm.s32 $0x6000;
	v6 =	vadd.f32 v7, v6;
	v7 =	vmul.f32 v8, v4  }
0x123: {  	v5 =	vld.idx.msk [tilespmem:v5+s21+$0x0], $0xffff  }
0x124: {  	v6 =	vadd.f32 v7, v6  }
0x125: {  	v7 =	vld [tilespmem:s21+$0x0]  }
0x126: {  	v6 =	vadd.f32 v6, v6;
	_ =	sdelay $0x1  }
0x127: {  	v6 =	vsub.f32 v5, v6;
	_ =	sdelay $0x1  }
0x128: {  	s31 =	simm.s32 $0x0;
	v6 =	vadd.f32 v6, v7  }
0x129: {  	v7 =	vor.u32 s31, v1  }
0x12a: {  	(xrf1) =	vsort.dscd.msk.f32 $0xffff, v6, v7;
	_ =	sdelay $0xc  }
0x12b: {  	s24 =	simm.s32 $0x4010  }
0x12c: {  	s23 =	simm.s32 $0x3010;
	v9 =	vld [tilespmem:s24+$0x0];
	v7 =	vimm.f32 $3.399999950e+38;
	v10, v11, _ =	vpop (xrf1)  }
0x12d: {  	v8 =	vld [tilespmem:s23+$0x0];
	v6 =	vimm.s32 $0x0;
	vm15 =	vle.f32 v7, v10  }
0x12e: {  	s0 =	simm.s32 $0x5010;
	v12 =	vsel vm15, v7, v10;
	v11 =	vsel vm15, v6, v11  }
0x12f: {  	s22 =	simm.s32 $0x10;
	s25 =	simm.s32 $0x20;
	v10 =	vld [tilespmem:s0+$0x0];
	(xrf1) =	vsort.dscd.msk.f32 $0xffff, v12, v11  }
.LBB2_14:
0x130: {  	p0 =	sne.s32 s25, $0xFF0;
	_ =	sdelay $0x1  }
0x131: {  	v8 =	vmul.f32 v8, v2;
	v9 =	vmul.f32 v9, v3;
	_ =	sdelay $0x1  }
0x132: {  	v8 =	vadd.f32 v9, v8;
	v9 =	vmul.f32 v10, v4;
	_ =	sdelay $0x1  }
0x133: {  	s21 =	sadd.s32 $0x10, s21;
	v8 =	vadd.f32 v9, v8  }
0x134: {  	v9 =	vld [tilespmem:s21+$0x0]  }
0x135: {  	v8 =	vadd.f32 v8, v8;
	_ =	sdelay $0x1  }
0x136: {  	v8 =	vsub.f32 v5, v8;
	_ =	sdelay $0x1  }
0x137: {  	v8 =	vadd.f32 v8, v9  }
0x138: {  	v9 =	vor.u32 s22, v1;
	s22 =	smov.u32 s25;
	v10, v11, _ =	vpop (xrf1)  }
0x139: {  	(xrf1) =	vsort.dscd.msk.f32 $0xffff, v8, v9;
	vm0 =	vle.f32 v7, v10  }
0x13a: {  	v8 =	vsel vm0, v7, v10;
	v7 =	vsel vm0, v10, v7;
	v9 =	vsel vm0, v11, v6  }
0x13b: {  	v6 =	vsel vm0, v6, v11;
	(xrf1) =	vsort.ascd.msk.f32 $0xffff, v7, v9  }
0x13c: {  	(xrf1) =	vsort.ascd.msk.f32 $0xffff, v8, v6;
	_ =	sdelay $0xa  }
0x13d: {  	v10, v11, _ =	vpop (xrf1)  }
.Ltmp8:
0x13e: {  	s23 =	sadd.s32 $0x10, s23;
	(pc) =	sbr.rel @p0 .LBB2_14-.Ltmp8, $4  }
0x13f: {  	s24 =	sadd.s32 $0x10, s24;
	v8 =	vld [tilespmem:s23+$0x0];
	v12, v13, _ =	vpop (xrf1)  }
0x140: {  	v9 =	vld [tilespmem:s24+$0x0];
	vm0 =	vle.f32 v12, v10;
	v7, v6, _ =	vpop (xrf1)  }
0x141: {  	s0 =	sadd.s32 $0x10, s0;
	v12 =	vsel vm0, v12, v10;
	v11 =	vsel vm0, v13, v11  }
0x142: {  	s25 =	sadd.s32 $0x10, s25;
	v10 =	vld [tilespmem:s0+$0x0];
	(xrf1) =	vsort.dscd.msk.f32 $0xffff, v12, v11  }
0x143: {  	_ =	sdelay $0x2  }
0x144: {  	v2 =	vmul.f32 v8, v2;
	v3 =	vmul.f32 v9, v3;
	_ =	sdelay $0x1  }
0x145: {  	v2 =	vadd.f32 v3, v2;
	v3 =	vmul.f32 v10, v4;
	_ =	sdelay $0x1  }
0x146: {  	s0 =	sadd.s32 $0x10, s21;
	v2 =	vadd.f32 v3, v2  }
0x147: {  	v3 =	vld [tilespmem:s0+$0x0]  }
0x148: {  	v2 =	vadd.f32 v2, v2;
	_ =	sdelay $0x1  }
0x149: {  	v2 =	vsub.f32 v5, v2;
	_ =	sdelay $0x1  }
0x14a: {  	v2 =	vadd.f32 v2, v3;
	v3, v55, _ =	vpop (xrf1)  }
0x14b: {  	v56 =	vor.u32 s22, v1;
	vm0 =	vle.f32 v7, v3  }
0x14c: {  	(xrf1) =	vsort.dscd.msk.f32 $0xffff, v2, v56;
	v2 =	vsel vm0, v3, v7;
	v57 =	vsel vm0, v55, v6  }
0x14d: {  	(xrf1) =	vsort.ascd.msk.f32 $0xffff, v2, v57;
	_ =	sdelay $0xc  }
0x14e: {  	v2, v5, _ =	vpop (xrf1)  }
0x14f: {  	v58, v59, _ =	vpop (xrf1)  }
0x150: {  	v3 =	vsel vm0, v7, v3;
	v4 =	vsel vm0, v6, v55;
	vm14 =	vle.f32 v58, v2  }
0x151: {  	(xrf1) =	vsort.ascd.msk.f32 $0xffff, v3, v4;
	v2 =	vsel vm14, v58, v2;
	v3 =	vsel vm14, v59, v5  }
0x152: {  	(xrf1) =	vsort.dscd.msk.f32 $0xffff, v2, v3;
	_ =	sdelay $0xc  }
0x153: {  	v2, v3, _ =	vpop (xrf1)  }
0x154: {  	v60, v61, _ =	vpop (xrf1)  }
0x155: {  	vm15 =	vle.f32 v2, v60  }
0x156: {  	v62 =	vsel vm15, v60, v2;
	v63 =	vsel vm15, v61, v3  }
0x157: {  	v2 =	vsel vm15, v2, v60;
	v3 =	vsel vm15, v3, v61;
	(xrf1) =	vsort.ascd.msk.f32 $0xffff, v62, v63  }
0x158: {  	(xrf1) =	vsort.ascd.msk.f32 $0xffff, v2, v3;
	_ =	sdelay $0xc  }
0x159: {  	v2, v3, _ =	vpop (xrf1)  }
0x15a: {  	v2, v4, _ =	vpop (xrf1)  }
0x15b: {  	v2 =	vadd.s32 v0, v4  }
0x15c: {  	s31 =	sshll.u32 s20, $0x7;
	[tilespmem:$0x7060] =	vst v2;
	v2 =	vadd.s32 v0, v3  }
0x15d: {  	s0 =	sadd.s32 s9, s31;
	[tilespmem:$0x7070] =	vst v2  }
0x15e: {  	[tilespmem:s16], [sflag:$0x1] =	stream.indirect.gather [hbm4b:s3+s14], $0x30, s15, s14, $0xb8;
	[tilespmem:$0x8880] =	vst v63  }
0x15f: {  	s0 =	smul.u32 $0x6, s0;
	_ =	swait.ge [sflag:s17], $0x1800  }
0x160: {  	s20 =	sadd.s32 $0x1, s20;
	[sflag:s17] =	ssyncset.done $0x0  }
0x161: {  	p0 =	sne.s32 s20, $0x80;
	s0 =	sadd.s32 s4, s0;
	[sflag:s17] =	ssyncadd.s32 $0xFFFFE800  }
0x162: {  	[hbm4b:s0+s2] =	stream.linear.scatter [tilespmem:s16], [sflag:$0x2], $0x1800, $0x38;
	[tilespmem:$0x8880] =	vst v63  }
.Ltmp9:
0x163: {  	_ = 	snop;
	(pc) =	sbr.rel @p0 .LBB2_4-.Ltmp9, $4  }
.Ltmp10:
0x164: {  	_ = 	snop;
	(pc) =	sbr.rel @!p0 .LBB2_16-.Ltmp10, $4  }
0x165: {  	_ =	swait.ge [sflag:s11], $0x1800  }
0x166: {  	[sflag:s11] =	ssyncset.done $0x0  }
0x167: {  	[sflag:s11] =	ssyncadd.s32 $0xFFFFE800  }
0x168: {  	_ = 	snop  }
.LBB2_5:
.Ltmp11:
0x169: {  	(pc) =	sbr.rel .LBB2_9-.Ltmp11, $2  }
0x16a: {  	_ =	sdelay $0x2  }
0x16b: {  	s28 =	simm.s32 $0x6000;
	s26 =	simm.s32 $0x0;
	v9 =	vimm.f32 $3.399999950e+38;
	v8 =	vimm.s32 $0x0  }
.LBB2_7:
.Ltmp12:
0x16c: {  	(pc) =	sbr.rel .LBB2_9-.Ltmp12, $2  }
0x16d: {  	_ =	sdelay $0x2  }
0x16e: {  	s28 =	simm.s32 $0x6000;
	v9 =	vimm.f32 $3.399999950e+38;
	v8 =	vimm.s32 $0x0  }
.LBB2_17:
0x16f: {  	_ =	sfence.sel $0x180000  }
0x170: {  	[bflag:$0x0] =	sbarrier.arrive $0xFFFF  }
0x171: {  	_ =	strace $0x90000047  }
0x172: {  	[bflag:$0x2] =	sbarrier.arrive $0xFFFF  }
0x173: {  	p0 =	sne.s32 s1, $0x0;
	s0 =	rddreg [dreg:$0x2]  }
0x174: {  	s0 =	sadd.s32 @!p0 $0x100000, s0  }
0x175: {  	[sflag:s0] =	ssyncadd.tile.s32 @!p0 $0x1;
	_ =	shalt  }
.Lfunc_end2:
_tile_overlayer_lowered:
.L_overlay_start_2:
0x176: {  	(tag) =	ssettag $0x2  }
0x177: {  	s0 =	rddreg [dreg:$0x0];
	s2 =	stileid.u32  }
0x178: {  	s1 =	rddreg [dreg:$0x1];
	p0 =	sne.s32 s2, $0x0  }
0x179: {  	s3 =	rddreg [dreg:$0x2];
	[bflag:$0x3] =	sbarrier.arrive $0xFFFF;
	s2 =	simm.s32 @!p0 $0x1C02  }
0x17a: {  	[timem:s3], [sflag:s2] =	dma.local @!p0 [hbm:s0], s1  }
0x17b: {  	s0 =	simm.s32 @!p0 $0x2  }
0x17c: {  	_ =	swait.ge @!p0 [sflag:s0], s1  }
0x17d: {  	s1 =	ssub.s32 @!p0 $0x0, s1;
	[sflag:s0] =	ssyncset.done @!p0 $0x0  }
0x17e: {  	[sflag:s0] =	ssyncadd.s32 @!p0 s1  }
0x17f: {  	[bflag:$0x3] =	sbarrier.arrive $0xFFFF  }
0x180: {  	_ =	shalt  }

</sc_bundles>
